<compile_context>
chip_gen: v7x
topology: tpu7x:2x2x1
jax: 0.10.2.dev20260603
libtpu: 0.0.44.dev20260713+nightly
codegen_flags: <defaults>
</compile_context>

<pallas_src>
import jax
import jax.numpy as jnp
from jax import lax
from jax.experimental import pallas as pl
from jax.experimental.pallas import tpu as pltpu
from jax.experimental.pallas import tpu_sc as plsc

B, N, C, K, OUT = 8, 2048, 64, 8, 64
HB = B // 2
TILE = 256
NT = N // TILE
TILE1 = 512
NT1 = N // TILE1
M_TOTAL = float(B * N * K)
EPS = 1e-3

NC, NS = 2, 16
NW = NC * NS
RH = HB * N * K
RPW = RH // NW
CH = 128
NCH = RPW // CH


def _make_knn_kernel(off_b):
    def _knn(xyz_ref, idx_ref):
        b = pl.program_id(0)
        t = pl.program_id(1)
        X = xyz_ref[0]
        xx = jnp.sum(X * X, axis=0, keepdims=True)
        off = pl.multiple_of(t * TILE1, TILE1)
        xt = xyz_ref[0, :, pl.ds(off, TILE1)]
        dotp = lax.dot_general(xt, X, (((0,), (0,)), ((), ())),
                               preferred_element_type=jnp.float32)
        colxx = jnp.sum(xt * xt, axis=0)[:, None]
        iota = lax.broadcasted_iota(jnp.int32, (TILE1, N), 1)
        base = (b + off_b) * N
        rows = lax.broadcasted_iota(jnp.int32, (TILE1, N), 0) + off
        pair = jnp.where(iota == rows, -jnp.inf,
                         dotp + dotp - colxx - xx)
        idx_ref[0, 0, :] = (lax.broadcasted_iota(jnp.int32, (TILE1,), 0)
                            + (off + base))
        for k in range(1, K):
            a = jnp.argmax(pair, axis=1).astype(jnp.int32)
            idx_ref[0, k, :] = a + base
            pair = jnp.where(iota == a[:, None], -jnp.inf, pair)
    return _knn


def _sc_gather(table_hbm, idx_hbm, out_hbm, idx_v, buf, sem):
    wid = lax.axis_index("s") * NC + lax.axis_index("c")
    base = wid * RPW
    pltpu.sync_copy(idx_hbm.at[wid], idx_v)

    def body(c, carry):
        cp = pltpu.async_copy(table_hbm.at[idx_v.at[c]], buf, sem)
        cp.wait()
        pltpu.sync_copy(buf, out_hbm.at[pl.ds(base + c * CH, CH)])
        return carry

    lax.fori_loop(0, NCH, body, 0)


def _stats_kernel(g0_ref, g1_ref, x0_ref, x1_ref, w1_ref, w2_ref,
                  gamma_ref, beta_ref, wq1_ref, wv_ref, bq_ref,
                  p_s, r_s, rt_s, q_s, sg_s, sx_s):
    b = pl.program_id(0)
    t = pl.program_id(1)
    first = jnp.logical_and(b == 0, t == 0)
    last = jnp.logical_and(b == HB - 1, t == NT - 1)

    cdim = (((0,), (0,)), ((), ()))

    def moments(g_ref, x_ref):
        g3 = g_ref[0]
        X = x_ref[0]
        g2 = g3.reshape(K * TILE, C)
        sk = jnp.sum(g3, axis=0)
        dP = lax.dot_general(g2, g2, cdim, preferred_element_type=jnp.float32)
        dR = lax.dot_general(sk, X, cdim, preferred_element_type=jnp.float32)
        dRt = lax.dot_general(X, sk, cdim, preferred_element_type=jnp.float32)
        dQ = lax.dot_general(X, X, cdim, preferred_element_type=jnp.float32)
        dSg = jnp.sum(g2, axis=0, keepdims=True)
        dSx = jnp.sum(X, axis=0, keepdims=True)
        return dP, dR, dRt, dQ, dSg, dSx

    m0 = moments(g0_ref, x0_ref)
    m1 = moments(g1_ref, x1_ref)
    dP, dR, dRt, dQ, dSg, dSx = [a + b_ for a, b_ in zip(m0, m1)]

    @pl.when(first)
    def _():
        p_s[:] = dP
        r_s[:] = dR
        rt_s[:] = dRt
        q_s[:] = dQ
        sg_s[:] = dSg
        sx_s[:] = dSx

    @pl.when(jnp.logical_not(first))
    def _():
        p_s[:] += dP
        r_s[:] += dR
        rt_s[:] += dRt
        q_s[:] += dQ
        sg_s[:] += dSg
        sx_s[:] += dSx

    @pl.when(last)
    def _():
        kf = float(K)
        P, R, Rt, Q = p_s[:], r_s[:], rt_s[:], q_s[:]
        Sg, Sx = sg_s[:], sx_s[:]
        G11 = P - R - Rt + kf * Q
        G12 = R - kf * Q
        G21 = Rt - kf * Q
        G22 = kf * Q
        W1, W2 = w1_ref[:], w2_ref[:]
        cd = (((1,), (0,)), ((), ()))
        T1 = (lax.dot_general(W1, G11, cd, preferred_element_type=jnp.float32)
              + lax.dot_general(W2, G21, cd, preferred_element_type=jnp.float32))
        T2 = (lax.dot_general(W1, G12, cd, preferred_element_type=jnp.float32)
              + lax.dot_general(W2, G22, cd, preferred_element_type=jnp.float32))
        esq = (jnp.sum(T1 * W1, axis=1, keepdims=True)
               + jnp.sum(T2 * W2, axis=1, keepdims=True)) / M_TOTAL
        Sd = Sg - kf * Sx
        Sx2 = kf * Sx
        cd2 = (((1,), (1,)), ((), ()))
        mean = (lax.dot_general(W1, Sd, cd2, preferred_element_type=jnp.float32)
                + lax.dot_general(W2, Sx2, cd2,
                                  preferred_element_type=jnp.float32)) / M_TOTAL
        var = esq - mean * mean
        scale = gamma_ref[:] * lax.rsqrt(var + EPS)
        wq1_ref[:] = W1 * scale
        wv_ref[:] = (W2 - W1) * scale
        bq_ref[:] = beta_ref[:] - mean * scale


def _edge_kernel(g0_ref, g1_ref, x0_ref, x1_ref, wq1_ref, wv_ref, bq_ref,
                 o0_ref, o1_ref):
    cd = (((1,), (1,)), ((), ()))

    def half(g_ref, x_ref, o_ref):
        g2 = g_ref[0].reshape(K * TILE, C)
        A = lax.dot_general(g2, wq1_ref[:], cd,
                            preferred_element_type=jnp.float32)
        A3 = A.reshape(K, TILE, OUT)
        Cx = lax.dot_general(x_ref[0], wv_ref[:], cd,
                             preferred_element_type=jnp.float32) + bq_ref[:]
        v = A3 + Cx[None, :, :]
        v = jnp.where(v >= 0.0, v, 0.2 * v)
        o_ref[0] = jnp.max(v, axis=0)

    half(g0_ref, x0_ref, o0_ref)
    half(g1_ref, x1_ref, o1_ref)


def _half_knn(xyz, off_b):
    return pl.pallas_call(
        _make_knn_kernel(off_b),
        grid=(HB, NT1),
        in_specs=[pl.BlockSpec((1, 3, N), lambda b, t: (b, 0, 0))],
        out_specs=pl.BlockSpec((1, K, TILE1), lambda b, t: (b, 0, t)),
        out_shape=jax.ShapeDtypeStruct((HB, K, N), jnp.int32),
    )(xyz[off_b:off_b + HB])


def _half_gather(table, idx_h):
    mesh = plsc.VectorSubcoreMesh(core_axis_name="c", subcore_axis_name="s")
    return pl.kernel(
        _sc_gather,
        out_type=jax.ShapeDtypeStruct((RH, C), jnp.float32),
        mesh=mesh,
        scratch_types=[
            pltpu.VMEM((NCH, CH), jnp.int32),
            pltpu.VMEM((CH, C), jnp.float32),
            pltpu.SemaphoreType.DMA,
        ],
        compiler_params=pltpu.CompilerParams(use_tc_tiling_on_sc=False),
    )(table, idx_h.reshape(NW, NCH, CH))


def kernel(inputs, xyz, W, gamma, beta):
    table = inputs.reshape(B * N, C)

    idx0 = _half_knn(xyz, 0)
    g0 = _half_gather(table, idx0)
    idx1 = _half_knn(xyz, HB)
    g1 = _half_gather(table, idx1)

    g40 = g0.reshape(HB, K, N, C)
    g41 = g1.reshape(HB, K, N, C)
    W1 = W[:, :C]
    W2 = W[:, C:]
    gamma2 = gamma.reshape(OUT, 1)
    beta2 = beta.reshape(OUT, 1)

    wspec = pl.BlockSpec((OUT, C), lambda b, t: (0, 0))
    vspec = pl.BlockSpec((OUT, 1), lambda b, t: (0, 0))
    gspec = pl.BlockSpec((1, K, TILE, C), lambda b, t: (b, 0, t, 0))
    x0spec = pl.BlockSpec((1, TILE, C), lambda b, t: (b, t, 0))
    x1spec = pl.BlockSpec((1, TILE, C), lambda b, t: (b + HB, t, 0))

    wq1, wv, bq = pl.pallas_call(
        _stats_kernel,
        grid=(HB, NT),
        in_specs=[gspec, gspec, x0spec, x1spec, wspec, wspec, vspec, vspec],
        out_specs=[
            pl.BlockSpec((OUT, C), lambda b, t: (0, 0)),
            pl.BlockSpec((OUT, C), lambda b, t: (0, 0)),
            pl.BlockSpec((OUT, 1), lambda b, t: (0, 0)),
        ],
        out_shape=[
            jax.ShapeDtypeStruct((OUT, C), jnp.float32),
            jax.ShapeDtypeStruct((OUT, C), jnp.float32),
            jax.ShapeDtypeStruct((OUT, 1), jnp.float32),
        ],
        scratch_shapes=[
            pltpu.VMEM((C, C), jnp.float32),
            pltpu.VMEM((C, C), jnp.float32),
            pltpu.VMEM((C, C), jnp.float32),
            pltpu.VMEM((C, C), jnp.float32),
            pltpu.VMEM((1, C), jnp.float32),
            pltpu.VMEM((1, C), jnp.float32),
        ],
    )(g40, g41, inputs, inputs, W1, W2, gamma2, beta2)

    bq_row = bq.reshape(1, OUT)

    o0, o1 = pl.pallas_call(
        _edge_kernel,
        grid=(HB, NT),
        in_specs=[gspec, gspec, x0spec, x1spec, wspec, wspec,
                  pl.BlockSpec((1, OUT), lambda b, t: (0, 0))],
        out_specs=[pl.BlockSpec((1, TILE, OUT), lambda b, t: (b, t, 0)),
                   pl.BlockSpec((1, TILE, OUT), lambda b, t: (b, t, 0))],
        out_shape=[jax.ShapeDtypeStruct((HB, N, OUT), jnp.float32),
                   jax.ShapeDtypeStruct((HB, N, OUT), jnp.float32)],
    )(g40, g41, inputs, inputs, wq1, wv, bq_row)

    return jnp.concatenate([o0, o1], axis=0)

# --- scband reference (transcript-rebuilt; emitter-appended) ---
"""Pipeline reference for scband-gcnnet-15358803050970 (READ-ONLY COPY).

The authoritative reference and input builder live on the scoring server;
editing this copy changes nothing except your own understanding.
"""

import jax, jax.numpy as jnp
import numpy as np

B, N, C, K, OUT = 8, 2048, 64, 8, 64


def setup_inputs(seed: int = 0) -> dict:
    key = jax.random.key(seed)
    k1, k2, k3 = jax.random.split(key, 3)
    inputs = jax.random.normal(k1, (B, N, C), dtype=jnp.float32)
    xyz = jax.random.normal(k2, (B, 3, N), dtype=jnp.float32)
    W = jax.random.normal(k3, (OUT, 2 * C), dtype=jnp.float32) * 0.05
    gamma = jnp.ones((OUT,), dtype=jnp.float32)
    beta = jnp.zeros((OUT,), dtype=jnp.float32)
    return {"inputs": inputs, "xyz": xyz, "W": W, "gamma": gamma, "beta": beta}


def reference(inputs, xyz, W, gamma, beta):
    k = K
    eps = 1e-3
    # knn on xyz: pairwise negative squared distance, top-k neighbors
    inner = -2.0 * jnp.einsum('bdn,bdm->bnm', xyz, xyz)
    xx = jnp.sum(xyz ** 2, axis=1, keepdims=True)  # [B,1,N]
    pairwise = -xx - inner - jnp.transpose(xx, (0, 2, 1))  # [B,N,N]
    _, idx = jax.lax.top_k(pairwise, k)  # [B,N,k]
    # get_graph_feature_spatial
    feat = inputs  # [B,N,C] (torch transposes to BCN then back; net effect is BNC)
    gathered = jax.vmap(lambda f, i: f[i])(feat, idx)  # [B,N,k,C]
    xrep = jnp.broadcast_to(feat[:, :, None, :], (B, N, k, C))
    graph = jnp.concatenate([gathered - xrep, xrep], axis=3)  # [B,N,k,2C]
    graph = jnp.transpose(graph, (0, 3, 1, 2))  # [B,2C,N,k]
    # 1x1 Conv2d (no bias)
    conv = jnp.einsum('bcnk,oc->bonk', graph, W)  # [B,OUT,N,k]
    # BatchNorm2d (training-mode batch stats, eps=0.001)
    mean = jnp.mean(conv, axis=(0, 2, 3), keepdims=True)
    var = jnp.var(conv, axis=(0, 2, 3), keepdims=True)
    bn = (conv - mean) / jnp.sqrt(var + eps)
    bn = bn * gamma[None, :, None, None] + beta[None, :, None, None]
    # LeakyReLU(0.2)
    act = jnp.where(bn >= 0, bn, 0.2 * bn)
    # max over neighbors, transpose back to [B,N,OUT]
    out = jnp.max(act, axis=-1)  # [B,OUT,N]
    return jnp.transpose(out, (0, 2, 1))

if __name__ == "__main__":
    import jax
    _d = setup_inputs()
    print(jax.jit(kernel)(*tuple(_d.values())))

</pallas_src>

<mosaic_0001>
#map = affine_map<(d0, d1) -> (0, 0)>
#map1 = affine_map<(d0, d1) -> (0, 0, 0)>
module attributes {stable_mosaic.version = 14 : i64} {
  func.func @_sc_gather(%arg0: i32, %arg1: i32, %arg2: memref<16384x64xf32, #tpu.memory_space<hbm>>, %arg3: memref<32x16x128xi32, #tpu.memory_space<hbm>>, %arg4: memref<65536x64xf32, #tpu.memory_space<hbm>>, %arg5: memref<16x128xi32, #tpu.memory_space<vmem>>, %arg6: memref<128x64xf32, #tpu.memory_space<vmem>>, %arg7: memref<!tpu.dma_semaphore, #tpu.memory_space<semaphore_mem>>) attributes {dimension_semantics = [#tpu.dimension_semantics<core_parallel>, #tpu.dimension_semantics<subcore_parallel>], iteration_bounds = array<i64: 2, 16>, scalar_prefetch = 0 : i64, scratch_operands = 3 : i64, tpu.core_type = #tpu.core_type<sc_vector_subcore>, window_params = [{transform_indices = #map}, {transform_indices = #map1}, {transform_indices = #map}]} {
    %mul3A = arith.constant 2 : i32
    %mul3A_0 = arith.muli %arg1, %mul3A : i32
    %add3A = arith.addi %mul3A_0, %arg0 : i32
    %mul3A_1 = arith.constant 2048 : i32
    %mul3A_2 = arith.muli %add3A, %mul3A_1 : i32
    "tpu.region"() ({
      %run_scoped3A = tpu.sem_alloc : memref<!tpu.dma_semaphore, #tpu.memory_space<semaphore_mem>>
      %dma_start3A = arith.constant 0 : i32
      %dma_start3A_8 = arith.constant 0 : i32
      %dma_start3A_9 = tpu.memref_slice %arg3[%add3A, %dma_start3A, %dma_start3A_8] : memref<32x16x128xi32, #tpu.memory_space<hbm>> -> memref<1x16x128xi32, #tpu.memory_space<hbm>>
      %dma_start3A_10 = tpu.memref_squeeze %dma_start3A_9 : memref<1x16x128xi32, #tpu.memory_space<hbm>> -> memref<16x128xi32, #tpu.memory_space<hbm>>
      %dma_start3A_11 = arith.constant 0 : i32
      %dma_start3A_12 = arith.constant 0 : i32
      %dma_start3A_13 = tpu.memref_slice %arg3[%add3A, %dma_start3A_11, %dma_start3A_12] : memref<32x16x128xi32, #tpu.memory_space<hbm>> -> memref<1x16x128xi32, #tpu.memory_space<hbm>>
      %dma_start3A_14 = tpu.memref_squeeze %dma_start3A_13 : memref<1x16x128xi32, #tpu.memory_space<hbm>> -> memref<16x128xi32, #tpu.memory_space<hbm>>
      tpu.enqueue_dma source(%dma_start3A_14 : memref<16x128xi32, #tpu.memory_space<hbm>>) target(%arg5 : memref<16x128xi32, #tpu.memory_space<vmem>>) target_semaphore(%run_scoped3A : memref<!tpu.dma_semaphore, #tpu.memory_space<semaphore_mem>>)
      %dma_wait3A = arith.constant 0 : i32
      %dma_wait3A_15 = arith.constant 0 : i32
      %dma_wait3A_16 = tpu.memref_slice %arg3[%add3A, %dma_wait3A, %dma_wait3A_15] : memref<32x16x128xi32, #tpu.memory_space<hbm>> -> memref<1x16x128xi32, #tpu.memory_space<hbm>>
      %dma_wait3A_17 = tpu.memref_squeeze %dma_wait3A_16 : memref<1x16x128xi32, #tpu.memory_space<hbm>> -> memref<16x128xi32, #tpu.memory_space<hbm>>
      %dma_wait3A_18 = arith.constant 0 : i32
      %dma_wait3A_19 = arith.constant 0 : i32
      %dma_wait3A_20 = tpu.memref_slice %arg3[%add3A, %dma_wait3A_18, %dma_wait3A_19] : memref<32x16x128xi32, #tpu.memory_space<hbm>> -> memref<1x16x128xi32, #tpu.memory_space<hbm>>
      %dma_wait3A_21 = tpu.memref_squeeze %dma_wait3A_20 : memref<1x16x128xi32, #tpu.memory_space<hbm>> -> memref<16x128xi32, #tpu.memory_space<hbm>>
      tpu.wait_dma2 semaphore(%run_scoped3A : memref<!tpu.dma_semaphore, #tpu.memory_space<semaphore_mem>>) src(%dma_wait3A_21 : memref<16x128xi32, #tpu.memory_space<hbm>>) dst(%arg5 : memref<16x128xi32, #tpu.memory_space<vmem>>)
      tpu.yield
    }) : () -> ()
    %scan3A = arith.constant 0 : i32
    %scan3A_3 = arith.constant 0 : i32
    %scan3A_4 = arith.constant 16 : i32
    %scan3A_5 = arith.addi %scan3A_3, %scan3A_4 : i32
    %scan3A_6 = arith.constant 1 : i32
    scf.for %scan3A_8 = %scan3A_3 to %scan3A_5 step %scan3A_6  : i32 {
      %dma_start3A = arith.constant 0 : i32
      %dma_start3A_9 = tpu.memref_slice %arg5[%scan3A_8, %dma_start3A] : memref<16x128xi32, #tpu.memory_space<vmem>> -> memref<1x128xi32, #tpu.memory_space<vmem>>
      %dma_start3A_10 = tpu.memref_squeeze %dma_start3A_9 : memref<1x128xi32, #tpu.memory_space<vmem>> -> memref<128xi32, #tpu.memory_space<vmem>>
      %dma_start3A_11 = arith.constant 0 : i32
      %dma_start3A_12 = arith.constant 0 : i32
      %dma_start3A_13 = tpu.memref_slice %arg2[%dma_start3A_11, %dma_start3A_12] : memref<16384x64xf32, #tpu.memory_space<hbm>> -> memref<16384x64xf32, #tpu.memory_space<hbm>>
      tpu.enqueue_indirect_dma source(%dma_start3A_13 : memref<16384x64xf32, #tpu.memory_space<hbm>>) target(%arg6 : memref<128x64xf32, #tpu.memory_space<vmem>>) offsets(%dma_start3A_10 : memref<128xi32, #tpu.memory_space<vmem>>) semaphore(%arg7 : memref<!tpu.dma_semaphore, #tpu.memory_space<semaphore_mem>>)
      %dma_wait3A = arith.constant 0 : i32
      %dma_wait3A_14 = tpu.memref_slice %arg5[%scan3A_8, %dma_wait3A] : memref<16x128xi32, #tpu.memory_space<vmem>> -> memref<1x128xi32, #tpu.memory_space<vmem>>
      %dma_wait3A_15 = tpu.memref_squeeze %dma_wait3A_14 : memref<1x128xi32, #tpu.memory_space<vmem>> -> memref<128xi32, #tpu.memory_space<vmem>>
      %dma_wait3A_16 = arith.constant 0 : i32
      %dma_wait3A_17 = arith.constant 0 : i32
      %dma_wait3A_18 = tpu.memref_slice %arg2[%dma_wait3A_16, %dma_wait3A_17] : memref<16384x64xf32, #tpu.memory_space<hbm>> -> memref<16384x64xf32, #tpu.memory_space<hbm>>
      tpu.wait_indirect_dma semaphore(%arg7 : memref<!tpu.dma_semaphore, #tpu.memory_space<semaphore_mem>>) src(%dma_wait3A_18 : memref<16384x64xf32, #tpu.memory_space<hbm>>) dst(%arg6 : memref<128x64xf32, #tpu.memory_space<vmem>>)
      %mul3A_19 = arith.constant 128 : i32
      %mul3A_20 = arith.muli %scan3A_8, %mul3A_19 : i32
      %add3A_21 = arith.addi %mul3A_2, %mul3A_20 : i32
      "tpu.region"() ({
        %run_scoped3A = tpu.sem_alloc : memref<!tpu.dma_semaphore, #tpu.memory_space<semaphore_mem>>
        %dma_start3A_22 = arith.constant 0 : i32
        %dma_start3A_23 = tpu.memref_slice %arg4[%add3A_21, %dma_start3A_22] : memref<65536x64xf32, #tpu.memory_space<hbm>> -> memref<128x64xf32, #tpu.memory_space<hbm>>
        %dma_start3A_24 = arith.constant 0 : i32
        %dma_start3A_25 = tpu.memref_slice %arg4[%add3A_21, %dma_start3A_24] : memref<65536x64xf32, #tpu.memory_space<hbm>> -> memref<128x64xf32, #tpu.memory_space<hbm>>
        tpu.enqueue_dma source(%arg6 : memref<128x64xf32, #tpu.memory_space<vmem>>) target(%dma_start3A_25 : memref<128x64xf32, #tpu.memory_space<hbm>>) target_semaphore(%run_scoped3A : memref<!tpu.dma_semaphore, #tpu.memory_space<semaphore_mem>>)
        %dma_wait3A_26 = arith.constant 0 : i32
        %dma_wait3A_27 = tpu.memref_slice %arg4[%add3A_21, %dma_wait3A_26] : memref<65536x64xf32, #tpu.memory_space<hbm>> -> memref<128x64xf32, #tpu.memory_space<hbm>>
        %dma_wait3A_28 = arith.constant 0 : i32
        %dma_wait3A_29 = tpu.memref_slice %arg4[%add3A_21, %dma_wait3A_28] : memref<65536x64xf32, #tpu.memory_space<hbm>> -> memref<128x64xf32, #tpu.memory_space<hbm>>
        tpu.wait_dma2 semaphore(%run_scoped3A : memref<!tpu.dma_semaphore, #tpu.memory_space<semaphore_mem>>) src(%arg6 : memref<128x64xf32, #tpu.memory_space<vmem>>) dst(%dma_wait3A_29 : memref<128x64xf32, #tpu.memory_space<hbm>>)
        tpu.yield
      }) : () -> ()
    }
    %scan3A_7 = arith.constant 16 : i32
    return
  }
}

#map = affine_map<(d0, d1) -> (0, 0)>
#map1 = affine_map<(d0, d1) -> (0, 0, 0)>
module attributes {stable_mosaic.version = 14 : i64} {
  func.func @_sc_gather(%arg0: i32, %arg1: i32, %arg2: memref<16384x64xf32, #tpu.memory_space<hbm>>, %arg3: memref<32x16x128xi32, #tpu.memory_space<hbm>>, %arg4: memref<65536x64xf32, #tpu.memory_space<hbm>>, %arg5: memref<16x128xi32, #tpu.memory_space<vmem>>, %arg6: memref<128x64xf32, #tpu.memory_space<vmem>>, %arg7: memref<!tpu.dma_semaphore, #tpu.memory_space<semaphore_mem>>) attributes {dimension_semantics = [#tpu.dimension_semantics<core_parallel>, #tpu.dimension_semantics<subcore_parallel>], iteration_bounds = array<i64: 2, 16>, scalar_prefetch = 0 : i64, scratch_operands = 3 : i64, tpu.core_type = #tpu.core_type<sc_vector_subcore>, window_params = [{transform_indices = #map}, {transform_indices = #map1}, {transform_indices = #map}]} {
    %mul3A = arith.constant 2 : i32
    %mul3A_0 = arith.muli %arg1, %mul3A : i32
    %add3A = arith.addi %mul3A_0, %arg0 : i32
    %mul3A_1 = arith.constant 2048 : i32
    %mul3A_2 = arith.muli %add3A, %mul3A_1 : i32
    "tpu.region"() ({
      %run_scoped3A = tpu.sem_alloc : memref<!tpu.dma_semaphore, #tpu.memory_space<semaphore_mem>>
      %dma_start3A = arith.constant 0 : i32
      %dma_start3A_8 = arith.constant 0 : i32
      %dma_start3A_9 = tpu.memref_slice %arg3[%add3A, %dma_start3A, %dma_start3A_8] : memref<32x16x128xi32, #tpu.memory_space<hbm>> -> memref<1x16x128xi32, #tpu.memory_space<hbm>>
      %dma_start3A_10 = tpu.memref_squeeze %dma_start3A_9 : memref<1x16x128xi32, #tpu.memory_space<hbm>> -> memref<16x128xi32, #tpu.memory_space<hbm>>
      %dma_start3A_11 = arith.constant 0 : i32
      %dma_start3A_12 = arith.constant 0 : i32
      %dma_start3A_13 = tpu.memref_slice %arg3[%add3A, %dma_start3A_11, %dma_start3A_12] : memref<32x16x128xi32, #tpu.memory_space<hbm>> -> memref<1x16x128xi32, #tpu.memory_space<hbm>>
      %dma_start3A_14 = tpu.memref_squeeze %dma_start3A_13 : memref<1x16x128xi32, #tpu.memory_space<hbm>> -> memref<16x128xi32, #tpu.memory_space<hbm>>
      tpu.enqueue_dma source(%dma_start3A_14 : memref<16x128xi32, #tpu.memory_space<hbm>>) target(%arg5 : memref<16x128xi32, #tpu.memory_space<vmem>>) target_semaphore(%run_scoped3A : memref<!tpu.dma_semaphore, #tpu.memory_space<semaphore_mem>>)
      %dma_wait3A = arith.constant 0 : i32
      %dma_wait3A_15 = arith.constant 0 : i32
      %dma_wait3A_16 = tpu.memref_slice %arg3[%add3A, %dma_wait3A, %dma_wait3A_15] : memref<32x16x128xi32, #tpu.memory_space<hbm>> -> memref<1x16x128xi32, #tpu.memory_space<hbm>>
      %dma_wait3A_17 = tpu.memref_squeeze %dma_wait3A_16 : memref<1x16x128xi32, #tpu.memory_space<hbm>> -> memref<16x128xi32, #tpu.memory_space<hbm>>
      %dma_wait3A_18 = arith.constant 0 : i32
      %dma_wait3A_19 = arith.constant 0 : i32
      %dma_wait3A_20 = tpu.memref_slice %arg3[%add3A, %dma_wait3A_18, %dma_wait3A_19] : memref<32x16x128xi32, #tpu.memory_space<hbm>> -> memref<1x16x128xi32, #tpu.memory_space<hbm>>
      %dma_wait3A_21 = tpu.memref_squeeze %dma_wait3A_20 : memref<1x16x128xi32, #tpu.memory_space<hbm>> -> memref<16x128xi32, #tpu.memory_space<hbm>>
      tpu.wait_dma2 semaphore(%run_scoped3A : memref<!tpu.dma_semaphore, #tpu.memory_space<semaphore_mem>>) src(%dma_wait3A_21 : memref<16x128xi32, #tpu.memory_space<hbm>>) dst(%arg5 : memref<16x128xi32, #tpu.memory_space<vmem>>)
      tpu.yield
    }) : () -> ()
    %scan3A = arith.constant 0 : i32
    %scan3A_3 = arith.constant 0 : i32
    %scan3A_4 = arith.constant 16 : i32
    %scan3A_5 = arith.addi %scan3A_3, %scan3A_4 : i32
    %scan3A_6 = arith.constant 1 : i32
    scf.for %scan3A_8 = %scan3A_3 to %scan3A_5 step %scan3A_6  : i32 {
      %dma_start3A = arith.constant 0 : i32
      %dma_start3A_9 = tpu.memref_slice %arg5[%scan3A_8, %dma_start3A] : memref<16x128xi32, #tpu.memory_space<vmem>> -> memref<1x128xi32, #tpu.memory_space<vmem>>
      %dma_start3A_10 = tpu.memref_squeeze %dma_start3A_9 : memref<1x128xi32, #tpu.memory_space<vmem>> -> memref<128xi32, #tpu.memory_space<vmem>>
      %dma_start3A_11 = arith.constant 0 : i32
      %dma_start3A_12 = arith.constant 0 : i32
      %dma_start3A_13 = tpu.memref_slice %arg2[%dma_start3A_11, %dma_start3A_12] : memref<16384x64xf32, #tpu.memory_space<hbm>> -> memref<16384x64xf32, #tpu.memory_space<hbm>>
      tpu.enqueue_indirect_dma source(%dma_start3A_13 : memref<16384x64xf32, #tpu.memory_space<hbm>>) target(%arg6 : memref<128x64xf32, #tpu.memory_space<vmem>>) offsets(%dma_start3A_10 : memref<128xi32, #tpu.memory_space<vmem>>) semaphore(%arg7 : memref<!tpu.dma_semaphore, #tpu.memory_space<semaphore_mem>>)
      %dma_wait3A = arith.constant 0 : i32
      %dma_wait3A_14 = tpu.memref_slice %arg5[%scan3A_8, %dma_wait3A] : memref<16x128xi32, #tpu.memory_space<vmem>> -> memref<1x128xi32, #tpu.memory_space<vmem>>
      %dma_wait3A_15 = tpu.memref_squeeze %dma_wait3A_14 : memref<1x128xi32, #tpu.memory_space<vmem>> -> memref<128xi32, #tpu.memory_space<vmem>>
      %dma_wait3A_16 = arith.constant 0 : i32
      %dma_wait3A_17 = arith.constant 0 : i32
      %dma_wait3A_18 = tpu.memref_slice %arg2[%dma_wait3A_16, %dma_wait3A_17] : memref<16384x64xf32, #tpu.memory_space<hbm>> -> memref<16384x64xf32, #tpu.memory_space<hbm>>
      tpu.wait_indirect_dma semaphore(%arg7 : memref<!tpu.dma_semaphore, #tpu.memory_space<semaphore_mem>>) src(%dma_wait3A_18 : memref<16384x64xf32, #tpu.memory_space<hbm>>) dst(%arg6 : memref<128x64xf32, #tpu.memory_space<vmem>>)
      %mul3A_19 = arith.constant 128 : i32
      %mul3A_20 = arith.muli %scan3A_8, %mul3A_19 : i32
      %add3A_21 = arith.addi %mul3A_2, %mul3A_20 : i32
      "tpu.region"() ({
        %run_scoped3A = tpu.sem_alloc : memref<!tpu.dma_semaphore, #tpu.memory_space<semaphore_mem>>
        %dma_start3A_22 = arith.constant 0 : i32
        %dma_start3A_23 = tpu.memref_slice %arg4[%add3A_21, %dma_start3A_22] : memref<65536x64xf32, #tpu.memory_space<hbm>> -> memref<128x64xf32, #tpu.memory_space<hbm>>
        %dma_start3A_24 = arith.constant 0 : i32
        %dma_start3A_25 = tpu.memref_slice %arg4[%add3A_21, %dma_start3A_24] : memref<65536x64xf32, #tpu.memory_space<hbm>> -> memref<128x64xf32, #tpu.memory_space<hbm>>
        tpu.enqueue_dma source(%arg6 : memref<128x64xf32, #tpu.memory_space<vmem>>) target(%dma_start3A_25 : memref<128x64xf32, #tpu.memory_space<hbm>>) target_semaphore(%run_scoped3A : memref<!tpu.dma_semaphore, #tpu.memory_space<semaphore_mem>>)
        %dma_wait3A_26 = arith.constant 0 : i32
        %dma_wait3A_27 = tpu.memref_slice %arg4[%add3A_21, %dma_wait3A_26] : memref<65536x64xf32, #tpu.memory_space<hbm>> -> memref<128x64xf32, #tpu.memory_space<hbm>>
        %dma_wait3A_28 = arith.constant 0 : i32
        %dma_wait3A_29 = tpu.memref_slice %arg4[%add3A_21, %dma_wait3A_28] : memref<65536x64xf32, #tpu.memory_space<hbm>> -> memref<128x64xf32, #tpu.memory_space<hbm>>
        tpu.wait_dma2 semaphore(%run_scoped3A : memref<!tpu.dma_semaphore, #tpu.memory_space<semaphore_mem>>) src(%arg6 : memref<128x64xf32, #tpu.memory_space<vmem>>) dst(%dma_wait3A_29 : memref<128x64xf32, #tpu.memory_space<hbm>>)
        tpu.yield
      }) : () -> ()
    }
    %scan3A_7 = arith.constant 16 : i32
    return
  }
}

module attributes {stable_mosaic.version = 14 : i64} {
  func.func @_knn(%arg0: i32, %arg1: i32, %arg2: memref<1x3x2048xf32, #tpu.memory_space<vmem>>, %arg3: memref<1x8x512xi32, #tpu.memory_space<vmem>>) attributes {dimension_semantics = [#tpu.dimension_semantics<arbitrary>, #tpu.dimension_semantics<arbitrary>], iteration_bounds = array<i64: 4, 4>, scalar_prefetch = 0 : i64, scratch_operands = 0 : i64, tpu.core_type = #tpu.core_type<tc>, window_params = [{transform_indices = @transform_0, window_bounds = array<i64: 1, 3, 2048>}, {transform_indices = @transform_1, window_bounds = array<i64: 1, 8, 512>}]} {
    %get3A = arith.constant 0 : index
    %get3A_0 = arith.constant 0 : index
    %get3A_1 = arith.constant 0 : index
    %get3A_2 = vector.load %arg2[%get3A, %get3A_0, %get3A_1] : memref<1x3x2048xf32, #tpu.memory_space<vmem>>, vector<1x3x2048xf32>
    %get3A_3 = vector.shape_cast %get3A_2 : vector<1x3x2048xf32> to vector<3x2048xf32>
    %mul3A = arith.mulf %get3A_3, %get3A_3 : vector<3x2048xf32>
    %reduce_sum3A = arith.constant dense<0.000000e+00> : vector<2048xf32>
    %reduce_sum3A_4 = vector.multi_reduction <add>, %mul3A, %reduce_sum3A [0] : vector<3x2048xf32> to vector<2048xf32>
    %broadcast_in_dim3A = vector.shape_cast %reduce_sum3A_4 : vector<2048xf32> to vector<1x2048xf32>
    %mul3A_5 = arith.constant 512 : i32
    %mul3A_6 = arith.muli %arg1, %mul3A_5 : i32
    %multiple_of3A = tpu.assume_multiple %mul3A_6, 512 : i32
    %get3A_7 = arith.constant 0 : index
    %get3A_8 = arith.constant 0 : index
    %get3A_9 = arith.index_cast %multiple_of3A : i32 to index
    %get3A_10 = vector.load %arg2[%get3A_7, %get3A_8, %get3A_9] : memref<1x3x2048xf32, #tpu.memory_space<vmem>>, vector<1x3x512xf32>
    %get3A_11 = vector.shape_cast %get3A_10 : vector<1x3x512xf32> to vector<3x512xf32>
    %dot_general3A = arith.constant dense<0.000000e+00> : vector<512x2048xf32>
    %dot_general3A_12 = tpu.matmul %get3A_11, %get3A_3, %dot_general3A {dimension_numbers = #tpu.dot_dimension_numbers<[0], [0], [1], [1], [0, 1, 1, 1], [], []>, transpose_lhs_hint = false} : vector<3x512xf32>, vector<3x2048xf32>, vector<512x2048xf32> -> vector<512x2048xf32>
    %mul3A_13 = arith.mulf %get3A_11, %get3A_11 : vector<3x512xf32>
    %reduce_sum3A_14 = arith.constant dense<0.000000e+00> : vector<512xf32>
    %reduce_sum3A_15 = vector.multi_reduction <add>, %mul3A_13, %reduce_sum3A_14 [0] : vector<3x512xf32> to vector<512xf32>
    %broadcast_in_dim3A_16 = vector.shape_cast %reduce_sum3A_15 : vector<512xf32> to vector<512x1xf32>
    %iota3A = tpu.iota {dimensions = array<i32: 1>} : vector<512x2048xi32>
    %add3A = arith.constant 0 : i32
    %add3A_17 = arith.addi %arg0, %add3A : i32
    %mul3A_18 = arith.constant 2048 : i32
    %mul3A_19 = arith.muli %add3A_17, %mul3A_18 : i32
    %iota3A_20 = tpu.iota {dimensions = array<i32: 0>} : vector<512x2048xi32>
    %add3A_21 = vector.broadcast %multiple_of3A : i32 to vector<512x2048xi32>
    %add3A_22 = arith.addi %iota3A_20, %add3A_21 : vector<512x2048xi32>
    %eq3A = arith.cmpi eq, %iota3A, %add3A_22 : vector<512x2048xi32>
    %add3A_23 = arith.addf %dot_general3A_12, %dot_general3A_12 : vector<512x2048xf32>
    %sub3A = vector.broadcast %broadcast_in_dim3A_16 : vector<512x1xf32> to vector<512x2048xf32>
    %sub3A_24 = arith.subf %add3A_23, %sub3A : vector<512x2048xf32>
    %sub3A_25 = vector.broadcast %broadcast_in_dim3A : vector<1x2048xf32> to vector<512x2048xf32>
    %sub3A_26 = arith.subf %sub3A_24, %sub3A_25 : vector<512x2048xf32>
    %jit3A = arith.constant 0xFF800000 : f32
    %broadcast_in_dim3A_27 = vector.broadcast %jit3A : f32 to vector<512x2048xf32>
    %select_n3A = arith.select %eq3A, %broadcast_in_dim3A_27, %sub3A_26 : vector<512x2048xi1>, vector<512x2048xf32>
    %iota3A_28 = tpu.iota {dimensions = array<i32: 1>} : vector<1x512xi32>
    %iota3A_29 = vector.shape_cast %iota3A_28 : vector<1x512xi32> to vector<512xi32>
    %add3A_30 = arith.addi %multiple_of3A, %mul3A_19 : i32
    %add3A_31 = vector.broadcast %add3A_30 : i32 to vector<512xi32>
    %add3A_32 = arith.addi %iota3A_29, %add3A_31 : vector<512xi32>
    %swap3A = arith.constant 0 : index
    %swap3A_33 = arith.constant 0 : index
    %swap3A_34 = arith.constant 0 : index
    %swap3A_35 = vector.load %arg3[%swap3A, %swap3A_33, %swap3A_34] : memref<1x8x512xi32, #tpu.memory_space<vmem>>, vector<1x1x512xi32>
    %swap3A_36 = vector.shape_cast %swap3A_35 : vector<1x1x512xi32> to vector<512xi32>
    %swap3A_37 = vector.shape_cast %add3A_32 : vector<512xi32> to vector<1x1x512xi32>
    tpu.vector_store %arg3[%swap3A, %swap3A_33, %swap3A_34], %swap3A_37 {strides = array<i32>} : memref<1x8x512xi32, #tpu.memory_space<vmem>>, vector<1x1x512xi32>,
    %argmax3A = tpu.reduce_index %select_n3A {axis = 1 : i32, kind = #tpu.reduction_kind<arg_max>} : vector<512x2048xf32> -> vector<512xi32>
    %add3A_38 = vector.broadcast %mul3A_19 : i32 to vector<512xi32>
    %add3A_39 = arith.addi %argmax3A, %add3A_38 : vector<512xi32>
    %swap3A_40 = arith.constant 0 : index
    %swap3A_41 = arith.constant 1 : index
    %swap3A_42 = arith.constant 0 : index
    %swap3A_43 = vector.load %arg3[%swap3A_40, %swap3A_41, %swap3A_42] : memref<1x8x512xi32, #tpu.memory_space<vmem>>, vector<1x1x512xi32>
    %swap3A_44 = vector.shape_cast %swap3A_43 : vector<1x1x512xi32> to vector<512xi32>
    %swap3A_45 = vector.shape_cast %add3A_39 : vector<512xi32> to vector<1x1x512xi32>
    tpu.vector_store %arg3[%swap3A_40, %swap3A_41, %swap3A_42], %swap3A_45 {strides = array<i32>} : memref<1x8x512xi32, #tpu.memory_space<vmem>>, vector<1x1x512xi32>,
    %broadcast_in_dim3A_46 = vector.shape_cast %argmax3A : vector<512xi32> to vector<512x1xi32>
    %eq3A_47 = vector.broadcast %broadcast_in_dim3A_46 : vector<512x1xi32> to vector<512x2048xi32>
    %eq3A_48 = arith.cmpi eq, %iota3A, %eq3A_47 : vector<512x2048xi32>
    %jit3A_49 = arith.constant 0xFF800000 : f32
    %broadcast_in_dim3A_50 = vector.broadcast %jit3A_49 : f32 to vector<512x2048xf32>
    %select_n3A_51 = arith.select %eq3A_48, %broadcast_in_dim3A_50, %select_n3A : vector<512x2048xi1>, vector<512x2048xf32>
    %argmax3A_52 = tpu.reduce_index %select_n3A_51 {axis = 1 : i32, kind = #tpu.reduction_kind<arg_max>} : vector<512x2048xf32> -> vector<512xi32>
    %add3A_53 = vector.broadcast %mul3A_19 : i32 to vector<512xi32>
    %add3A_54 = arith.addi %argmax3A_52, %add3A_53 : vector<512xi32>
    %swap3A_55 = arith.constant 0 : index
    %swap3A_56 = arith.constant 2 : index
    %swap3A_57 = arith.constant 0 : index
    %swap3A_58 = vector.load %arg3[%swap3A_55, %swap3A_56, %swap3A_57] : memref<1x8x512xi32, #tpu.memory_space<vmem>>, vector<1x1x512xi32>
    %swap3A_59 = vector.shape_cast %swap3A_58 : vector<1x1x512xi32> to vector<512xi32>
    %swap3A_60 = vector.shape_cast %add3A_54 : vector<512xi32> to vector<1x1x512xi32>
    tpu.vector_store %arg3[%swap3A_55, %swap3A_56, %swap3A_57], %swap3A_60 {strides = array<i32>} : memref<1x8x512xi32, #tpu.memory_space<vmem>>, vector<1x1x512xi32>,
    %broadcast_in_dim3A_61 = vector.shape_cast %argmax3A_52 : vector<512xi32> to vector<512x1xi32>
    %eq3A_62 = vector.broadcast %broadcast_in_dim3A_61 : vector<512x1xi32> to vector<512x2048xi32>
    %eq3A_63 = arith.cmpi eq, %iota3A, %eq3A_62 : vector<512x2048xi32>
    %jit3A_64 = arith.constant 0xFF800000 : f32
    %broadcast_in_dim3A_65 = vector.broadcast %jit3A_64 : f32 to vector<512x2048xf32>
    %select_n3A_66 = arith.select %eq3A_63, %broadcast_in_dim3A_65, %select_n3A_51 : vector<512x2048xi1>, vector<512x2048xf32>
    %argmax3A_67 = tpu.reduce_index %select_n3A_66 {axis = 1 : i32, kind = #tpu.reduction_kind<arg_max>} : vector<512x2048xf32> -> vector<512xi32>
    %add3A_68 = vector.broadcast %mul3A_19 : i32 to vector<512xi32>
    %add3A_69 = arith.addi %argmax3A_67, %add3A_68 : vector<512xi32>
    %swap3A_70 = arith.constant 0 : index
    %swap3A_71 = arith.constant 3 : index
    %swap3A_72 = arith.constant 0 : index
    %swap3A_73 = vector.load %arg3[%swap3A_70, %swap3A_71, %swap3A_72] : memref<1x8x512xi32, #tpu.memory_space<vmem>>, vector<1x1x512xi32>
    %swap3A_74 = vector.shape_cast %swap3A_73 : vector<1x1x512xi32> to vector<512xi32>
    %swap3A_75 = vector.shape_cast %add3A_69 : vector<512xi32> to vector<1x1x512xi32>
    tpu.vector_store %arg3[%swap3A_70, %swap3A_71, %swap3A_72], %swap3A_75 {strides = array<i32>} : memref<1x8x512xi32, #tpu.memory_space<vmem>>, vector<1x1x512xi32>,
    %broadcast_in_dim3A_76 = vector.shape_cast %argmax3A_67 : vector<512xi32> to vector<512x1xi32>
    %eq3A_77 = vector.broadcast %broadcast_in_dim3A_76 : vector<512x1xi32> to vector<512x2048xi32>
    %eq3A_78 = arith.cmpi eq, %iota3A, %eq3A_77 : vector<512x2048xi32>
    %jit3A_79 = arith.constant 0xFF800000 : f32
    %broadcast_in_dim3A_80 = vector.broadcast %jit3A_79 : f32 to vector<512x2048xf32>
    %select_n3A_81 = arith.select %eq3A_78, %broadcast_in_dim3A_80, %select_n3A_66 : vector<512x2048xi1>, vector<512x2048xf32>
    %argmax3A_82 = tpu.reduce_index %select_n3A_81 {axis = 1 : i32, kind = #tpu.reduction_kind<arg_max>} : vector<512x2048xf32> -> vector<512xi32>
    %add3A_83 = vector.broadcast %mul3A_19 : i32 to vector<512xi32>
    %add3A_84 = arith.addi %argmax3A_82, %add3A_83 : vector<512xi32>
    %swap3A_85 = arith.constant 0 : index
    %swap3A_86 = arith.constant 4 : index
    %swap3A_87 = arith.constant 0 : index
    %swap3A_88 = vector.load %arg3[%swap3A_85, %swap3A_86, %swap3A_87] : memref<1x8x512xi32, #tpu.memory_space<vmem>>, vector<1x1x512xi32>
    %swap3A_89 = vector.shape_cast %swap3A_88 : vector<1x1x512xi32> to vector<512xi32>
    %swap3A_90 = vector.shape_cast %add3A_84 : vector<512xi32> to vector<1x1x512xi32>
    tpu.vector_store %arg3[%swap3A_85, %swap3A_86, %swap3A_87], %swap3A_90 {strides = array<i32>} : memref<1x8x512xi32, #tpu.memory_space<vmem>>, vector<1x1x512xi32>,
    %broadcast_in_dim3A_91 = vector.shape_cast %argmax3A_82 : vector<512xi32> to vector<512x1xi32>
    %eq3A_92 = vector.broadcast %broadcast_in_dim3A_91 : vector<512x1xi32> to vector<512x2048xi32>
    %eq3A_93 = arith.cmpi eq, %iota3A, %eq3A_92 : vector<512x2048xi32>
    %jit3A_94 = arith.constant 0xFF800000 : f32
    %broadcast_in_dim3A_95 = vector.broadcast %jit3A_94 : f32 to vector<512x2048xf32>
    %select_n3A_96 = arith.select %eq3A_93, %broadcast_in_dim3A_95, %select_n3A_81 : vector<512x2048xi1>, vector<512x2048xf32>
    %argmax3A_97 = tpu.reduce_index %select_n3A_96 {axis = 1 : i32, kind = #tpu.reduction_kind<arg_max>} : vector<512x2048xf32> -> vector<512xi32>
    %add3A_98 = vector.broadcast %mul3A_19 : i32 to vector<512xi32>
    %add3A_99 = arith.addi %argmax3A_97, %add3A_98 : vector<512xi32>
    %swap3A_100 = arith.constant 0 : index
    %swap3A_101 = arith.constant 5 : index
    %swap3A_102 = arith.constant 0 : index
    %swap3A_103 = vector.load %arg3[%swap3A_100, %swap3A_101, %swap3A_102] : memref<1x8x512xi32, #tpu.memory_space<vmem>>, vector<1x1x512xi32>
    %swap3A_104 = vector.shape_cast %swap3A_103 : vector<1x1x512xi32> to vector<512xi32>
    %swap3A_105 = vector.shape_cast %add3A_99 : vector<512xi32> to vector<1x1x512xi32>
    tpu.vector_store %arg3[%swap3A_100, %swap3A_101, %swap3A_102], %swap3A_105 {strides = array<i32>} : memref<1x8x512xi32, #tpu.memory_space<vmem>>, vector<1x1x512xi32>,
    %broadcast_in_dim3A_106 = vector.shape_cast %argmax3A_97 : vector<512xi32> to vector<512x1xi32>
    %eq3A_107 = vector.broadcast %broadcast_in_dim3A_106 : vector<512x1xi32> to vector<512x2048xi32>
    %eq3A_108 = arith.cmpi eq, %iota3A, %eq3A_107 : vector<512x2048xi32>
    %jit3A_109 = arith.constant 0xFF800000 : f32
    %broadcast_in_dim3A_110 = vector.broadcast %jit3A_109 : f32 to vector<512x2048xf32>
    %select_n3A_111 = arith.select %eq3A_108, %broadcast_in_dim3A_110, %select_n3A_96 : vector<512x2048xi1>, vector<512x2048xf32>
    %argmax3A_112 = tpu.reduce_index %select_n3A_111 {axis = 1 : i32, kind = #tpu.reduction_kind<arg_max>} : vector<512x2048xf32> -> vector<512xi32>
    %add3A_113 = vector.broadcast %mul3A_19 : i32 to vector<512xi32>
    %add3A_114 = arith.addi %argmax3A_112, %add3A_113 : vector<512xi32>
    %swap3A_115 = arith.constant 0 : index
    %swap3A_116 = arith.constant 6 : index
    %swap3A_117 = arith.constant 0 : index
    %swap3A_118 = vector.load %arg3[%swap3A_115, %swap3A_116, %swap3A_117] : memref<1x8x512xi32, #tpu.memory_space<vmem>>, vector<1x1x512xi32>
    %swap3A_119 = vector.shape_cast %swap3A_118 : vector<1x1x512xi32> to vector<512xi32>
    %swap3A_120 = vector.shape_cast %add3A_114 : vector<512xi32> to vector<1x1x512xi32>
    tpu.vector_store %arg3[%swap3A_115, %swap3A_116, %swap3A_117], %swap3A_120 {strides = array<i32>} : memref<1x8x512xi32, #tpu.memory_space<vmem>>, vector<1x1x512xi32>,
    %broadcast_in_dim3A_121 = vector.shape_cast %argmax3A_112 : vector<512xi32> to vector<512x1xi32>
    %eq3A_122 = vector.broadcast %broadcast_in_dim3A_121 : vector<512x1xi32> to vector<512x2048xi32>
    %eq3A_123 = arith.cmpi eq, %iota3A, %eq3A_122 : vector<512x2048xi32>
    %jit3A_124 = arith.constant 0xFF800000 : f32
    %broadcast_in_dim3A_125 = vector.broadcast %jit3A_124 : f32 to vector<512x2048xf32>
    %select_n3A_126 = arith.select %eq3A_123, %broadcast_in_dim3A_125, %select_n3A_111 : vector<512x2048xi1>, vector<512x2048xf32>
    %argmax3A_127 = tpu.reduce_index %select_n3A_126 {axis = 1 : i32, kind = #tpu.reduction_kind<arg_max>} : vector<512x2048xf32> -> vector<512xi32>
    %add3A_128 = vector.broadcast %mul3A_19 : i32 to vector<512xi32>
    %add3A_129 = arith.addi %argmax3A_127, %add3A_128 : vector<512xi32>
    %swap3A_130 = arith.constant 0 : index
    %swap3A_131 = arith.constant 7 : index
    %swap3A_132 = arith.constant 0 : index
    %swap3A_133 = vector.load %arg3[%swap3A_130, %swap3A_131, %swap3A_132] : memref<1x8x512xi32, #tpu.memory_space<vmem>>, vector<1x1x512xi32>
    %swap3A_134 = vector.shape_cast %swap3A_133 : vector<1x1x512xi32> to vector<512xi32>
    %swap3A_135 = vector.shape_cast %add3A_129 : vector<512xi32> to vector<1x1x512xi32>
    tpu.vector_store %arg3[%swap3A_130, %swap3A_131, %swap3A_132], %swap3A_135 {strides = array<i32>} : memref<1x8x512xi32, #tpu.memory_space<vmem>>, vector<1x1x512xi32>,
    return
  }
  func.func @transform_0(%arg0: i32, %arg1: i32) -> (i32, i32, i32) {
    %c0_i32 = arith.constant 0 : i32
    %c0_i32_0 = arith.constant 0 : i32
    %c0_i32_1 = arith.constant 0 : i32
    return %arg0, %c0_i32, %c0_i32_0 : i32, i32, i32
  }
  func.func @transform_1(%arg0: i32, %arg1: i32) -> (i32, i32, i32) {
    %c0_i32 = arith.constant 0 : i32
    %c0_i32_0 = arith.constant 0 : i32
    return %arg0, %c0_i32, %arg1 : i32, i32, i32
  }
}

module attributes {stable_mosaic.version = 14 : i64} {
  func.func @_knn(%arg0: i32, %arg1: i32, %arg2: memref<1x3x2048xf32, #tpu.memory_space<vmem>>, %arg3: memref<1x8x512xi32, #tpu.memory_space<vmem>>) attributes {dimension_semantics = [#tpu.dimension_semantics<arbitrary>, #tpu.dimension_semantics<arbitrary>], iteration_bounds = array<i64: 4, 4>, scalar_prefetch = 0 : i64, scratch_operands = 0 : i64, tpu.core_type = #tpu.core_type<tc>, window_params = [{transform_indices = @transform_0, window_bounds = array<i64: 1, 3, 2048>}, {transform_indices = @transform_1, window_bounds = array<i64: 1, 8, 512>}]} {
    %get3A = arith.constant 0 : index
    %get3A_0 = arith.constant 0 : index
    %get3A_1 = arith.constant 0 : index
    %get3A_2 = vector.load %arg2[%get3A, %get3A_0, %get3A_1] : memref<1x3x2048xf32, #tpu.memory_space<vmem>>, vector<1x3x2048xf32>
    %get3A_3 = vector.shape_cast %get3A_2 : vector<1x3x2048xf32> to vector<3x2048xf32>
    %mul3A = arith.mulf %get3A_3, %get3A_3 : vector<3x2048xf32>
    %reduce_sum3A = arith.constant dense<0.000000e+00> : vector<2048xf32>
    %reduce_sum3A_4 = vector.multi_reduction <add>, %mul3A, %reduce_sum3A [0] : vector<3x2048xf32> to vector<2048xf32>
    %broadcast_in_dim3A = vector.shape_cast %reduce_sum3A_4 : vector<2048xf32> to vector<1x2048xf32>
    %mul3A_5 = arith.constant 512 : i32
    %mul3A_6 = arith.muli %arg1, %mul3A_5 : i32
    %multiple_of3A = tpu.assume_multiple %mul3A_6, 512 : i32
    %get3A_7 = arith.constant 0 : index
    %get3A_8 = arith.constant 0 : index
    %get3A_9 = arith.index_cast %multiple_of3A : i32 to index
    %get3A_10 = vector.load %arg2[%get3A_7, %get3A_8, %get3A_9] : memref<1x3x2048xf32, #tpu.memory_space<vmem>>, vector<1x3x512xf32>
    %get3A_11 = vector.shape_cast %get3A_10 : vector<1x3x512xf32> to vector<3x512xf32>
    %dot_general3A = arith.constant dense<0.000000e+00> : vector<512x2048xf32>
    %dot_general3A_12 = tpu.matmul %get3A_11, %get3A_3, %dot_general3A {dimension_numbers = #tpu.dot_dimension_numbers<[0], [0], [1], [1], [0, 1, 1, 1], [], []>, transpose_lhs_hint = false} : vector<3x512xf32>, vector<3x2048xf32>, vector<512x2048xf32> -> vector<512x2048xf32>
    %mul3A_13 = arith.mulf %get3A_11, %get3A_11 : vector<3x512xf32>
    %reduce_sum3A_14 = arith.constant dense<0.000000e+00> : vector<512xf32>
    %reduce_sum3A_15 = vector.multi_reduction <add>, %mul3A_13, %reduce_sum3A_14 [0] : vector<3x512xf32> to vector<512xf32>
    %broadcast_in_dim3A_16 = vector.shape_cast %reduce_sum3A_15 : vector<512xf32> to vector<512x1xf32>
    %iota3A = tpu.iota {dimensions = array<i32: 1>} : vector<512x2048xi32>
    %add3A = arith.constant 4 : i32
    %add3A_17 = arith.addi %arg0, %add3A : i32
    %mul3A_18 = arith.constant 2048 : i32
    %mul3A_19 = arith.muli %add3A_17, %mul3A_18 : i32
    %iota3A_20 = tpu.iota {dimensions = array<i32: 0>} : vector<512x2048xi32>
    %add3A_21 = vector.broadcast %multiple_of3A : i32 to vector<512x2048xi32>
    %add3A_22 = arith.addi %iota3A_20, %add3A_21 : vector<512x2048xi32>
    %eq3A = arith.cmpi eq, %iota3A, %add3A_22 : vector<512x2048xi32>
    %add3A_23 = arith.addf %dot_general3A_12, %dot_general3A_12 : vector<512x2048xf32>
    %sub3A = vector.broadcast %broadcast_in_dim3A_16 : vector<512x1xf32> to vector<512x2048xf32>
    %sub3A_24 = arith.subf %add3A_23, %sub3A : vector<512x2048xf32>
    %sub3A_25 = vector.broadcast %broadcast_in_dim3A : vector<1x2048xf32> to vector<512x2048xf32>
    %sub3A_26 = arith.subf %sub3A_24, %sub3A_25 : vector<512x2048xf32>
    %jit3A = arith.constant 0xFF800000 : f32
    %broadcast_in_dim3A_27 = vector.broadcast %jit3A : f32 to vector<512x2048xf32>
    %select_n3A = arith.select %eq3A, %broadcast_in_dim3A_27, %sub3A_26 : vector<512x2048xi1>, vector<512x2048xf32>
    %iota3A_28 = tpu.iota {dimensions = array<i32: 1>} : vector<1x512xi32>
    %iota3A_29 = vector.shape_cast %iota3A_28 : vector<1x512xi32> to vector<512xi32>
    %add3A_30 = arith.addi %multiple_of3A, %mul3A_19 : i32
    %add3A_31 = vector.broadcast %add3A_30 : i32 to vector<512xi32>
    %add3A_32 = arith.addi %iota3A_29, %add3A_31 : vector<512xi32>
    %swap3A = arith.constant 0 : index
    %swap3A_33 = arith.constant 0 : index
    %swap3A_34 = arith.constant 0 : index
    %swap3A_35 = vector.load %arg3[%swap3A, %swap3A_33, %swap3A_34] : memref<1x8x512xi32, #tpu.memory_space<vmem>>, vector<1x1x512xi32>
    %swap3A_36 = vector.shape_cast %swap3A_35 : vector<1x1x512xi32> to vector<512xi32>
    %swap3A_37 = vector.shape_cast %add3A_32 : vector<512xi32> to vector<1x1x512xi32>
    tpu.vector_store %arg3[%swap3A, %swap3A_33, %swap3A_34], %swap3A_37 {strides = array<i32>} : memref<1x8x512xi32, #tpu.memory_space<vmem>>, vector<1x1x512xi32>,
    %argmax3A = tpu.reduce_index %select_n3A {axis = 1 : i32, kind = #tpu.reduction_kind<arg_max>} : vector<512x2048xf32> -> vector<512xi32>
    %add3A_38 = vector.broadcast %mul3A_19 : i32 to vector<512xi32>
    %add3A_39 = arith.addi %argmax3A, %add3A_38 : vector<512xi32>
    %swap3A_40 = arith.constant 0 : index
    %swap3A_41 = arith.constant 1 : index
    %swap3A_42 = arith.constant 0 : index
    %swap3A_43 = vector.load %arg3[%swap3A_40, %swap3A_41, %swap3A_42] : memref<1x8x512xi32, #tpu.memory_space<vmem>>, vector<1x1x512xi32>
    %swap3A_44 = vector.shape_cast %swap3A_43 : vector<1x1x512xi32> to vector<512xi32>
    %swap3A_45 = vector.shape_cast %add3A_39 : vector<512xi32> to vector<1x1x512xi32>
    tpu.vector_store %arg3[%swap3A_40, %swap3A_41, %swap3A_42], %swap3A_45 {strides = array<i32>} : memref<1x8x512xi32, #tpu.memory_space<vmem>>, vector<1x1x512xi32>,
    %broadcast_in_dim3A_46 = vector.shape_cast %argmax3A : vector<512xi32> to vector<512x1xi32>
    %eq3A_47 = vector.broadcast %broadcast_in_dim3A_46 : vector<512x1xi32> to vector<512x2048xi32>
    %eq3A_48 = arith.cmpi eq, %iota3A, %eq3A_47 : vector<512x2048xi32>
    %jit3A_49 = arith.constant 0xFF800000 : f32
    %broadcast_in_dim3A_50 = vector.broadcast %jit3A_49 : f32 to vector<512x2048xf32>
    %select_n3A_51 = arith.select %eq3A_48, %broadcast_in_dim3A_50, %select_n3A : vector<512x2048xi1>, vector<512x2048xf32>
    %argmax3A_52 = tpu.reduce_index %select_n3A_51 {axis = 1 : i32, kind = #tpu.reduction_kind<arg_max>} : vector<512x2048xf32> -> vector<512xi32>
    %add3A_53 = vector.broadcast %mul3A_19 : i32 to vector<512xi32>
    %add3A_54 = arith.addi %argmax3A_52, %add3A_53 : vector<512xi32>
    %swap3A_55 = arith.constant 0 : index
    %swap3A_56 = arith.constant 2 : index
    %swap3A_57 = arith.constant 0 : index
    %swap3A_58 = vector.load %arg3[%swap3A_55, %swap3A_56, %swap3A_57] : memref<1x8x512xi32, #tpu.memory_space<vmem>>, vector<1x1x512xi32>
    %swap3A_59 = vector.shape_cast %swap3A_58 : vector<1x1x512xi32> to vector<512xi32>
    %swap3A_60 = vector.shape_cast %add3A_54 : vector<512xi32> to vector<1x1x512xi32>
    tpu.vector_store %arg3[%swap3A_55, %swap3A_56, %swap3A_57], %swap3A_60 {strides = array<i32>} : memref<1x8x512xi32, #tpu.memory_space<vmem>>, vector<1x1x512xi32>,
    %broadcast_in_dim3A_61 = vector.shape_cast %argmax3A_52 : vector<512xi32> to vector<512x1xi32>
    %eq3A_62 = vector.broadcast %broadcast_in_dim3A_61 : vector<512x1xi32> to vector<512x2048xi32>
    %eq3A_63 = arith.cmpi eq, %iota3A, %eq3A_62 : vector<512x2048xi32>
    %jit3A_64 = arith.constant 0xFF800000 : f32
    %broadcast_in_dim3A_65 = vector.broadcast %jit3A_64 : f32 to vector<512x2048xf32>
    %select_n3A_66 = arith.select %eq3A_63, %broadcast_in_dim3A_65, %select_n3A_51 : vector<512x2048xi1>, vector<512x2048xf32>
    %argmax3A_67 = tpu.reduce_index %select_n3A_66 {axis = 1 : i32, kind = #tpu.reduction_kind<arg_max>} : vector<512x2048xf32> -> vector<512xi32>
    %add3A_68 = vector.broadcast %mul3A_19 : i32 to vector<512xi32>
    %add3A_69 = arith.addi %argmax3A_67, %add3A_68 : vector<512xi32>
    %swap3A_70 = arith.constant 0 : index
    %swap3A_71 = arith.constant 3 : index
    %swap3A_72 = arith.constant 0 : index
    %swap3A_73 = vector.load %arg3[%swap3A_70, %swap3A_71, %swap3A_72] : memref<1x8x512xi32, #tpu.memory_space<vmem>>, vector<1x1x512xi32>
    %swap3A_74 = vector.shape_cast %swap3A_73 : vector<1x1x512xi32> to vector<512xi32>
    %swap3A_75 = vector.shape_cast %add3A_69 : vector<512xi32> to vector<1x1x512xi32>
    tpu.vector_store %arg3[%swap3A_70, %swap3A_71, %swap3A_72], %swap3A_75 {strides = array<i32>} : memref<1x8x512xi32, #tpu.memory_space<vmem>>, vector<1x1x512xi32>,
    %broadcast_in_dim3A_76 = vector.shape_cast %argmax3A_67 : vector<512xi32> to vector<512x1xi32>
    %eq3A_77 = vector.broadcast %broadcast_in_dim3A_76 : vector<512x1xi32> to vector<512x2048xi32>
    %eq3A_78 = arith.cmpi eq, %iota3A, %eq3A_77 : vector<512x2048xi32>
    %jit3A_79 = arith.constant 0xFF800000 : f32
    %broadcast_in_dim3A_80 = vector.broadcast %jit3A_79 : f32 to vector<512x2048xf32>
    %select_n3A_81 = arith.select %eq3A_78, %broadcast_in_dim3A_80, %select_n3A_66 : vector<512x2048xi1>, vector<512x2048xf32>
    %argmax3A_82 = tpu.reduce_index %select_n3A_81 {axis = 1 : i32, kind = #tpu.reduction_kind<arg_max>} : vector<512x2048xf32> -> vector<512xi32>
    %add3A_83 = vector.broadcast %mul3A_19 : i32 to vector<512xi32>
    %add3A_84 = arith.addi %argmax3A_82, %add3A_83 : vector<512xi32>
    %swap3A_85 = arith.constant 0 : index
    %swap3A_86 = arith.constant 4 : index
    %swap3A_87 = arith.constant 0 : index
    %swap3A_88 = vector.load %arg3[%swap3A_85, %swap3A_86, %swap3A_87] : memref<1x8x512xi32, #tpu.memory_space<vmem>>, vector<1x1x512xi32>
    %swap3A_89 = vector.shape_cast %swap3A_88 : vector<1x1x512xi32> to vector<512xi32>
    %swap3A_90 = vector.shape_cast %add3A_84 : vector<512xi32> to vector<1x1x512xi32>
    tpu.vector_store %arg3[%swap3A_85, %swap3A_86, %swap3A_87], %swap3A_90 {strides = array<i32>} : memref<1x8x512xi32, #tpu.memory_space<vmem>>, vector<1x1x512xi32>,
    %broadcast_in_dim3A_91 = vector.shape_cast %argmax3A_82 : vector<512xi32> to vector<512x1xi32>
    %eq3A_92 = vector.broadcast %broadcast_in_dim3A_91 : vector<512x1xi32> to vector<512x2048xi32>
    %eq3A_93 = arith.cmpi eq, %iota3A, %eq3A_92 : vector<512x2048xi32>
    %jit3A_94 = arith.constant 0xFF800000 : f32
    %broadcast_in_dim3A_95 = vector.broadcast %jit3A_94 : f32 to vector<512x2048xf32>
    %select_n3A_96 = arith.select %eq3A_93, %broadcast_in_dim3A_95, %select_n3A_81 : vector<512x2048xi1>, vector<512x2048xf32>
    %argmax3A_97 = tpu.reduce_index %select_n3A_96 {axis = 1 : i32, kind = #tpu.reduction_kind<arg_max>} : vector<512x2048xf32> -> vector<512xi32>
    %add3A_98 = vector.broadcast %mul3A_19 : i32 to vector<512xi32>
    %add3A_99 = arith.addi %argmax3A_97, %add3A_98 : vector<512xi32>
    %swap3A_100 = arith.constant 0 : index
    %swap3A_101 = arith.constant 5 : index
    %swap3A_102 = arith.constant 0 : index
    %swap3A_103 = vector.load %arg3[%swap3A_100, %swap3A_101, %swap3A_102] : memref<1x8x512xi32, #tpu.memory_space<vmem>>, vector<1x1x512xi32>
    %swap3A_104 = vector.shape_cast %swap3A_103 : vector<1x1x512xi32> to vector<512xi32>
    %swap3A_105 = vector.shape_cast %add3A_99 : vector<512xi32> to vector<1x1x512xi32>
    tpu.vector_store %arg3[%swap3A_100, %swap3A_101, %swap3A_102], %swap3A_105 {strides = array<i32>} : memref<1x8x512xi32, #tpu.memory_space<vmem>>, vector<1x1x512xi32>,
    %broadcast_in_dim3A_106 = vector.shape_cast %argmax3A_97 : vector<512xi32> to vector<512x1xi32>
    %eq3A_107 = vector.broadcast %broadcast_in_dim3A_106 : vector<512x1xi32> to vector<512x2048xi32>
    %eq3A_108 = arith.cmpi eq, %iota3A, %eq3A_107 : vector<512x2048xi32>
    %jit3A_109 = arith.constant 0xFF800000 : f32
    %broadcast_in_dim3A_110 = vector.broadcast %jit3A_109 : f32 to vector<512x2048xf32>
    %select_n3A_111 = arith.select %eq3A_108, %broadcast_in_dim3A_110, %select_n3A_96 : vector<512x2048xi1>, vector<512x2048xf32>
    %argmax3A_112 = tpu.reduce_index %select_n3A_111 {axis = 1 : i32, kind = #tpu.reduction_kind<arg_max>} : vector<512x2048xf32> -> vector<512xi32>
    %add3A_113 = vector.broadcast %mul3A_19 : i32 to vector<512xi32>
    %add3A_114 = arith.addi %argmax3A_112, %add3A_113 : vector<512xi32>
    %swap3A_115 = arith.constant 0 : index
    %swap3A_116 = arith.constant 6 : index
    %swap3A_117 = arith.constant 0 : index
    %swap3A_118 = vector.load %arg3[%swap3A_115, %swap3A_116, %swap3A_117] : memref<1x8x512xi32, #tpu.memory_space<vmem>>, vector<1x1x512xi32>
    %swap3A_119 = vector.shape_cast %swap3A_118 : vector<1x1x512xi32> to vector<512xi32>
    %swap3A_120 = vector.shape_cast %add3A_114 : vector<512xi32> to vector<1x1x512xi32>
    tpu.vector_store %arg3[%swap3A_115, %swap3A_116, %swap3A_117], %swap3A_120 {strides = array<i32>} : memref<1x8x512xi32, #tpu.memory_space<vmem>>, vector<1x1x512xi32>,
    %broadcast_in_dim3A_121 = vector.shape_cast %argmax3A_112 : vector<512xi32> to vector<512x1xi32>
    %eq3A_122 = vector.broadcast %broadcast_in_dim3A_121 : vector<512x1xi32> to vector<512x2048xi32>
    %eq3A_123 = arith.cmpi eq, %iota3A, %eq3A_122 : vector<512x2048xi32>
    %jit3A_124 = arith.constant 0xFF800000 : f32
    %broadcast_in_dim3A_125 = vector.broadcast %jit3A_124 : f32 to vector<512x2048xf32>
    %select_n3A_126 = arith.select %eq3A_123, %broadcast_in_dim3A_125, %select_n3A_111 : vector<512x2048xi1>, vector<512x2048xf32>
    %argmax3A_127 = tpu.reduce_index %select_n3A_126 {axis = 1 : i32, kind = #tpu.reduction_kind<arg_max>} : vector<512x2048xf32> -> vector<512xi32>
    %add3A_128 = vector.broadcast %mul3A_19 : i32 to vector<512xi32>
    %add3A_129 = arith.addi %argmax3A_127, %add3A_128 : vector<512xi32>
    %swap3A_130 = arith.constant 0 : index
    %swap3A_131 = arith.constant 7 : index
    %swap3A_132 = arith.constant 0 : index
    %swap3A_133 = vector.load %arg3[%swap3A_130, %swap3A_131, %swap3A_132] : memref<1x8x512xi32, #tpu.memory_space<vmem>>, vector<1x1x512xi32>
    %swap3A_134 = vector.shape_cast %swap3A_133 : vector<1x1x512xi32> to vector<512xi32>
    %swap3A_135 = vector.shape_cast %add3A_129 : vector<512xi32> to vector<1x1x512xi32>
    tpu.vector_store %arg3[%swap3A_130, %swap3A_131, %swap3A_132], %swap3A_135 {strides = array<i32>} : memref<1x8x512xi32, #tpu.memory_space<vmem>>, vector<1x1x512xi32>,
    return
  }
  func.func @transform_0(%arg0: i32, %arg1: i32) -> (i32, i32, i32) {
    %c0_i32 = arith.constant 0 : i32
    %c0_i32_0 = arith.constant 0 : i32
    %c0_i32_1 = arith.constant 0 : i32
    return %arg0, %c0_i32, %c0_i32_0 : i32, i32, i32
  }
  func.func @transform_1(%arg0: i32, %arg1: i32) -> (i32, i32, i32) {
    %c0_i32 = arith.constant 0 : i32
    %c0_i32_0 = arith.constant 0 : i32
    return %arg0, %c0_i32, %arg1 : i32, i32, i32
  }
}

module attributes {stable_mosaic.version = 14 : i64} {
  func.func @_stats_kernel(%arg0: i32, %arg1: i32, %arg2: memref<1x8x256x64xf32, #tpu.memory_space<vmem>>, %arg3: memref<1x8x256x64xf32, #tpu.memory_space<vmem>>, %arg4: memref<1x256x64xf32, #tpu.memory_space<vmem>>, %arg5: memref<1x256x64xf32, #tpu.memory_space<vmem>>, %arg6: memref<64x64xf32, #tpu.memory_space<vmem>>, %arg7: memref<64x64xf32, #tpu.memory_space<vmem>>, %arg8: memref<64x1xf32, #tpu.memory_space<vmem>>, %arg9: memref<64x1xf32, #tpu.memory_space<vmem>>, %arg10: memref<64x64xf32, #tpu.memory_space<vmem>>, %arg11: memref<64x64xf32, #tpu.memory_space<vmem>>, %arg12: memref<64x1xf32, #tpu.memory_space<vmem>>, %arg13: memref<64x64xf32, #tpu.memory_space<vmem>>, %arg14: memref<64x64xf32, #tpu.memory_space<vmem>>, %arg15: memref<64x64xf32, #tpu.memory_space<vmem>>, %arg16: memref<64x64xf32, #tpu.memory_space<vmem>>, %arg17: memref<1x64xf32, #tpu.memory_space<vmem>>, %arg18: memref<1x64xf32, #tpu.memory_space<vmem>>) attributes {dimension_semantics = [#tpu.dimension_semantics<arbitrary>, #tpu.dimension_semantics<arbitrary>], iteration_bounds = array<i64: 4, 8>, scalar_prefetch = 0 : i64, scratch_operands = 6 : i64, tpu.core_type = #tpu.core_type<tc>, window_params = [{transform_indices = @transform_0, window_bounds = array<i64: 1, 8, 256, 64>}, {transform_indices = @transform_1, window_bounds = array<i64: 1, 8, 256, 64>}, {transform_indices = @transform_2, window_bounds = array<i64: 1, 256, 64>}, {transform_indices = @transform_3, window_bounds = array<i64: 1, 256, 64>}, {pipeline_mode = #tpu.pipeline_mode<synchronous>, transform_indices = @transform_4, window_bounds = array<i64: 64, 64>}, {pipeline_mode = #tpu.pipeline_mode<synchronous>, transform_indices = @transform_5, window_bounds = array<i64: 64, 64>}, {pipeline_mode = #tpu.pipeline_mode<synchronous>, transform_indices = @transform_6, window_bounds = array<i64: 64, 1>}, {pipeline_mode = #tpu.pipeline_mode<synchronous>, transform_indices = @transform_7, window_bounds = array<i64: 64, 1>}, {pipeline_mode = #tpu.pipeline_mode<synchronous>, transform_indices = @transform_8, window_bounds = array<i64: 64, 64>}, {pipeline_mode = #tpu.pipeline_mode<synchronous>, transform_indices = @transform_9, window_bounds = array<i64: 64, 64>}, {pipeline_mode = #tpu.pipeline_mode<synchronous>, transform_indices = @transform_10, window_bounds = array<i64: 64, 1>}]} {
    %eq3A = arith.constant 0 : i32
    %eq3A_0 = arith.cmpi eq, %arg0, %eq3A : i32
    %eq3A_1 = arith.constant 0 : i32
    %eq3A_2 = arith.cmpi eq, %arg1, %eq3A_1 : i32
    %and3A = arith.andi %eq3A_0, %eq3A_2 : i1
    %eq3A_3 = arith.constant 3 : i32
    %eq3A_4 = arith.cmpi eq, %arg0, %eq3A_3 : i32
    %eq3A_5 = arith.constant 7 : i32
    %eq3A_6 = arith.cmpi eq, %arg1, %eq3A_5 : i32
    %and3A_7 = arith.andi %eq3A_4, %eq3A_6 : i1
    %get3A = arith.constant 0 : index
    %get3A_8 = arith.constant 0 : index
    %get3A_9 = arith.constant 0 : index
    %get3A_10 = arith.constant 0 : index
    %get3A_11 = vector.load %arg2[%get3A, %get3A_8, %get3A_9, %get3A_10] : memref<1x8x256x64xf32, #tpu.memory_space<vmem>>, vector<1x8x256x64xf32>
    %get3A_12 = vector.shape_cast %get3A_11 : vector<1x8x256x64xf32> to vector<8x256x64xf32>
    %get3A_13 = arith.constant 0 : index
    %get3A_14 = arith.constant 0 : index
    %get3A_15 = arith.constant 0 : index
    %get3A_16 = vector.load %arg4[%get3A_13, %get3A_14, %get3A_15] : memref<1x256x64xf32, #tpu.memory_space<vmem>>, vector<1x256x64xf32>
    %get3A_17 = vector.shape_cast %get3A_16 : vector<1x256x64xf32> to vector<256x64xf32>
    %reshape3A = vector.shape_cast %get3A_12 : vector<8x256x64xf32> to vector<2048x64xf32>
    %reduce_sum3A = arith.constant dense<0.000000e+00> : vector<256x64xf32>
    %reduce_sum3A_18 = vector.multi_reduction <add>, %get3A_12, %reduce_sum3A [0] : vector<8x256x64xf32> to vector<256x64xf32>
    %dot_general3A = arith.constant dense<0.000000e+00> : vector<64x64xf32>
    %dot_general3A_19 = tpu.matmul %reshape3A, %reshape3A, %dot_general3A {dimension_numbers = #tpu.dot_dimension_numbers<[0], [0], [1], [1], [0, 1, 1, 1], [], []>, transpose_lhs_hint = false} : vector<2048x64xf32>, vector<2048x64xf32>, vector<64x64xf32> -> vector<64x64xf32>
    %dot_general3A_20 = arith.constant dense<0.000000e+00> : vector<64x64xf32>
    %dot_general3A_21 = tpu.matmul %reduce_sum3A_18, %get3A_17, %dot_general3A_20 {dimension_numbers = #tpu.dot_dimension_numbers<[0], [0], [1], [1], [0, 1, 1, 1], [], []>, transpose_lhs_hint = false} : vector<256x64xf32>, vector<256x64xf32>, vector<64x64xf32> -> vector<64x64xf32>
    %dot_general3A_22 = arith.constant dense<0.000000e+00> : vector<64x64xf32>
    %dot_general3A_23 = tpu.matmul %get3A_17, %reduce_sum3A_18, %dot_general3A_22 {dimension_numbers = #tpu.dot_dimension_numbers<[0], [0], [1], [1], [0, 1, 1, 1], [], []>, transpose_lhs_hint = false} : vector<256x64xf32>, vector<256x64xf32>, vector<64x64xf32> -> vector<64x64xf32>
    %dot_general3A_24 = arith.constant dense<0.000000e+00> : vector<64x64xf32>
    %dot_general3A_25 = tpu.matmul %get3A_17, %get3A_17, %dot_general3A_24 {dimension_numbers = #tpu.dot_dimension_numbers<[0], [0], [1], [1], [0, 1, 1, 1], [], []>, transpose_lhs_hint = false} : vector<256x64xf32>, vector<256x64xf32>, vector<64x64xf32> -> vector<64x64xf32>
    %reduce_sum3A_26 = arith.constant dense<0.000000e+00> : vector<64xf32>
    %reduce_sum3A_27 = vector.multi_reduction <add>, %reshape3A, %reduce_sum3A_26 [0] : vector<2048x64xf32> to vector<64xf32>
    %broadcast_in_dim3A = vector.shape_cast %reduce_sum3A_27 : vector<64xf32> to vector<1x64xf32>
    %reduce_sum3A_28 = arith.constant dense<0.000000e+00> : vector<64xf32>
    %reduce_sum3A_29 = vector.multi_reduction <add>, %get3A_17, %reduce_sum3A_28 [0] : vector<256x64xf32> to vector<64xf32>
    %broadcast_in_dim3A_30 = vector.shape_cast %reduce_sum3A_29 : vector<64xf32> to vector<1x64xf32>
    %get3A_31 = arith.constant 0 : index
    %get3A_32 = arith.constant 0 : index
    %get3A_33 = arith.constant 0 : index
    %get3A_34 = arith.constant 0 : index
    %get3A_35 = vector.load %arg3[%get3A_31, %get3A_32, %get3A_33, %get3A_34] : memref<1x8x256x64xf32, #tpu.memory_space<vmem>>, vector<1x8x256x64xf32>
    %get3A_36 = vector.shape_cast %get3A_35 : vector<1x8x256x64xf32> to vector<8x256x64xf32>
    %get3A_37 = arith.constant 0 : index
    %get3A_38 = arith.constant 0 : index
    %get3A_39 = arith.constant 0 : index
    %get3A_40 = vector.load %arg5[%get3A_37, %get3A_38, %get3A_39] : memref<1x256x64xf32, #tpu.memory_space<vmem>>, vector<1x256x64xf32>
    %get3A_41 = vector.shape_cast %get3A_40 : vector<1x256x64xf32> to vector<256x64xf32>
    %reshape3A_42 = vector.shape_cast %get3A_36 : vector<8x256x64xf32> to vector<2048x64xf32>
    %reduce_sum3A_43 = arith.constant dense<0.000000e+00> : vector<256x64xf32>
    %reduce_sum3A_44 = vector.multi_reduction <add>, %get3A_36, %reduce_sum3A_43 [0] : vector<8x256x64xf32> to vector<256x64xf32>
    %dot_general3A_45 = arith.constant dense<0.000000e+00> : vector<64x64xf32>
    %dot_general3A_46 = tpu.matmul %reshape3A_42, %reshape3A_42, %dot_general3A_45 {dimension_numbers = #tpu.dot_dimension_numbers<[0], [0], [1], [1], [0, 1, 1, 1], [], []>, transpose_lhs_hint = false} : vector<2048x64xf32>, vector<2048x64xf32>, vector<64x64xf32> -> vector<64x64xf32>
    %dot_general3A_47 = arith.constant dense<0.000000e+00> : vector<64x64xf32>
    %dot_general3A_48 = tpu.matmul %reduce_sum3A_44, %get3A_41, %dot_general3A_47 {dimension_numbers = #tpu.dot_dimension_numbers<[0], [0], [1], [1], [0, 1, 1, 1], [], []>, transpose_lhs_hint = false} : vector<256x64xf32>, vector<256x64xf32>, vector<64x64xf32> -> vector<64x64xf32>
    %dot_general3A_49 = arith.constant dense<0.000000e+00> : vector<64x64xf32>
    %dot_general3A_50 = tpu.matmul %get3A_41, %reduce_sum3A_44, %dot_general3A_49 {dimension_numbers = #tpu.dot_dimension_numbers<[0], [0], [1], [1], [0, 1, 1, 1], [], []>, transpose_lhs_hint = false} : vector<256x64xf32>, vector<256x64xf32>, vector<64x64xf32> -> vector<64x64xf32>
    %dot_general3A_51 = arith.constant dense<0.000000e+00> : vector<64x64xf32>
    %dot_general3A_52 = tpu.matmul %get3A_41, %get3A_41, %dot_general3A_51 {dimension_numbers = #tpu.dot_dimension_numbers<[0], [0], [1], [1], [0, 1, 1, 1], [], []>, transpose_lhs_hint = false} : vector<256x64xf32>, vector<256x64xf32>, vector<64x64xf32> -> vector<64x64xf32>
    %reduce_sum3A_53 = arith.constant dense<0.000000e+00> : vector<64xf32>
    %reduce_sum3A_54 = vector.multi_reduction <add>, %reshape3A_42, %reduce_sum3A_53 [0] : vector<2048x64xf32> to vector<64xf32>
    %broadcast_in_dim3A_55 = vector.shape_cast %reduce_sum3A_54 : vector<64xf32> to vector<1x64xf32>
    %reduce_sum3A_56 = arith.constant dense<0.000000e+00> : vector<64xf32>
    %reduce_sum3A_57 = vector.multi_reduction <add>, %get3A_41, %reduce_sum3A_56 [0] : vector<256x64xf32> to vector<64xf32>
    %broadcast_in_dim3A_58 = vector.shape_cast %reduce_sum3A_57 : vector<64xf32> to vector<1x64xf32>
    %add3A = arith.addf %dot_general3A_19, %dot_general3A_46 : vector<64x64xf32>
    %add3A_59 = arith.addf %dot_general3A_21, %dot_general3A_48 : vector<64x64xf32>
    %add3A_60 = arith.addf %dot_general3A_23, %dot_general3A_50 : vector<64x64xf32>
    %add3A_61 = arith.addf %dot_general3A_25, %dot_general3A_52 : vector<64x64xf32>
    %add3A_62 = arith.addf %broadcast_in_dim3A, %broadcast_in_dim3A_55 : vector<1x64xf32>
    %add3A_63 = arith.addf %broadcast_in_dim3A_30, %broadcast_in_dim3A_58 : vector<1x64xf32>
    %convert_element_type3A = arith.extui %and3A : i1 to i32
    %cond3A = arith.constant 0 : i32
    %cond3A_64 = arith.cmpi ne, %convert_element_type3A, %cond3A : i32
    scf.if %cond3A_64 {
      %swap3A = arith.constant 0 : index
      %swap3A_72 = arith.constant 0 : index
      %swap3A_73 = vector.load %arg13[%swap3A, %swap3A_72] : memref<64x64xf32, #tpu.memory_space<vmem>>, vector<64x64xf32>
      tpu.vector_store %arg13[%swap3A, %swap3A_72], %add3A {strides = array<i32>} : memref<64x64xf32, #tpu.memory_space<vmem>>, vector<64x64xf32>,
      %swap3A_74 = arith.constant 0 : index
      %swap3A_75 = arith.constant 0 : index
      %swap3A_76 = vector.load %arg14[%swap3A_74, %swap3A_75] : memref<64x64xf32, #tpu.memory_space<vmem>>, vector<64x64xf32>
      tpu.vector_store %arg14[%swap3A_74, %swap3A_75], %add3A_59 {strides = array<i32>} : memref<64x64xf32, #tpu.memory_space<vmem>>, vector<64x64xf32>,
      %swap3A_77 = arith.constant 0 : index
      %swap3A_78 = arith.constant 0 : index
      %swap3A_79 = vector.load %arg15[%swap3A_77, %swap3A_78] : memref<64x64xf32, #tpu.memory_space<vmem>>, vector<64x64xf32>
      tpu.vector_store %arg15[%swap3A_77, %swap3A_78], %add3A_60 {strides = array<i32>} : memref<64x64xf32, #tpu.memory_space<vmem>>, vector<64x64xf32>,
      %swap3A_80 = arith.constant 0 : index
      %swap3A_81 = arith.constant 0 : index
      %swap3A_82 = vector.load %arg16[%swap3A_80, %swap3A_81] : memref<64x64xf32, #tpu.memory_space<vmem>>, vector<64x64xf32>
      tpu.vector_store %arg16[%swap3A_80, %swap3A_81], %add3A_61 {strides = array<i32>} : memref<64x64xf32, #tpu.memory_space<vmem>>, vector<64x64xf32>,
      %swap3A_83 = arith.constant 0 : index
      %swap3A_84 = arith.constant 0 : index
      %swap3A_85 = vector.load %arg17[%swap3A_83, %swap3A_84] : memref<1x64xf32, #tpu.memory_space<vmem>>, vector<1x64xf32>
      tpu.vector_store %arg17[%swap3A_83, %swap3A_84], %add3A_62 {strides = array<i32>} : memref<1x64xf32, #tpu.memory_space<vmem>>, vector<1x64xf32>,
      %swap3A_86 = arith.constant 0 : index
      %swap3A_87 = arith.constant 0 : index
      %swap3A_88 = vector.load %arg18[%swap3A_86, %swap3A_87] : memref<1x64xf32, #tpu.memory_space<vmem>>, vector<1x64xf32>
      tpu.vector_store %arg18[%swap3A_86, %swap3A_87], %add3A_63 {strides = array<i32>} : memref<1x64xf32, #tpu.memory_space<vmem>>, vector<1x64xf32>,
    } else {
    }
    %not3A = arith.constant true
    %not3A_65 = arith.xori %and3A, %not3A : i1
    %convert_element_type3A_66 = arith.extui %not3A_65 : i1 to i32
    %cond3A_67 = arith.constant 0 : i32
    %cond3A_68 = arith.cmpi ne, %convert_element_type3A_66, %cond3A_67 : i32
    scf.if %cond3A_68 {
      %get3A_72 = arith.constant 0 : index
      %get3A_73 = arith.constant 0 : index
      %get3A_74 = vector.load %arg13[%get3A_72, %get3A_73] : memref<64x64xf32, #tpu.memory_space<vmem>>, vector<64x64xf32>
      %add3A_75 = arith.addf %get3A_74, %add3A : vector<64x64xf32>
      %swap3A = arith.constant 0 : index
      %swap3A_76 = arith.constant 0 : index
      %swap3A_77 = vector.load %arg13[%swap3A, %swap3A_76] : memref<64x64xf32, #tpu.memory_space<vmem>>, vector<64x64xf32>
      tpu.vector_store %arg13[%swap3A, %swap3A_76], %add3A_75 {strides = array<i32>} : memref<64x64xf32, #tpu.memory_space<vmem>>, vector<64x64xf32>,
      %get3A_78 = arith.constant 0 : index
      %get3A_79 = arith.constant 0 : index
      %get3A_80 = vector.load %arg14[%get3A_78, %get3A_79] : memref<64x64xf32, #tpu.memory_space<vmem>>, vector<64x64xf32>
      %add3A_81 = arith.addf %get3A_80, %add3A_59 : vector<64x64xf32>
      %swap3A_82 = arith.constant 0 : index
      %swap3A_83 = arith.constant 0 : index
      %swap3A_84 = vector.load %arg14[%swap3A_82, %swap3A_83] : memref<64x64xf32, #tpu.memory_space<vmem>>, vector<64x64xf32>
      tpu.vector_store %arg14[%swap3A_82, %swap3A_83], %add3A_81 {strides = array<i32>} : memref<64x64xf32, #tpu.memory_space<vmem>>, vector<64x64xf32>,
      %get3A_85 = arith.constant 0 : index
      %get3A_86 = arith.constant 0 : index
      %get3A_87 = vector.load %arg15[%get3A_85, %get3A_86] : memref<64x64xf32, #tpu.memory_space<vmem>>, vector<64x64xf32>
      %add3A_88 = arith.addf %get3A_87, %add3A_60 : vector<64x64xf32>
      %swap3A_89 = arith.constant 0 : index
      %swap3A_90 = arith.constant 0 : index
      %swap3A_91 = vector.load %arg15[%swap3A_89, %swap3A_90] : memref<64x64xf32, #tpu.memory_space<vmem>>, vector<64x64xf32>
      tpu.vector_store %arg15[%swap3A_89, %swap3A_90], %add3A_88 {strides = array<i32>} : memref<64x64xf32, #tpu.memory_space<vmem>>, vector<64x64xf32>,
      %get3A_92 = arith.constant 0 : index
      %get3A_93 = arith.constant 0 : index
      %get3A_94 = vector.load %arg16[%get3A_92, %get3A_93] : memref<64x64xf32, #tpu.memory_space<vmem>>, vector<64x64xf32>
      %add3A_95 = arith.addf %get3A_94, %add3A_61 : vector<64x64xf32>
      %swap3A_96 = arith.constant 0 : index
      %swap3A_97 = arith.constant 0 : index
      %swap3A_98 = vector.load %arg16[%swap3A_96, %swap3A_97] : memref<64x64xf32, #tpu.memory_space<vmem>>, vector<64x64xf32>
      tpu.vector_store %arg16[%swap3A_96, %swap3A_97], %add3A_95 {strides = array<i32>} : memref<64x64xf32, #tpu.memory_space<vmem>>, vector<64x64xf32>,
      %get3A_99 = arith.constant 0 : index
      %get3A_100 = arith.constant 0 : index
      %get3A_101 = vector.load %arg17[%get3A_99, %get3A_100] : memref<1x64xf32, #tpu.memory_space<vmem>>, vector<1x64xf32>
      %add3A_102 = arith.addf %get3A_101, %add3A_62 : vector<1x64xf32>
      %swap3A_103 = arith.constant 0 : index
      %swap3A_104 = arith.constant 0 : index
      %swap3A_105 = vector.load %arg17[%swap3A_103, %swap3A_104] : memref<1x64xf32, #tpu.memory_space<vmem>>, vector<1x64xf32>
      tpu.vector_store %arg17[%swap3A_103, %swap3A_104], %add3A_102 {strides = array<i32>} : memref<1x64xf32, #tpu.memory_space<vmem>>, vector<1x64xf32>,
      %get3A_106 = arith.constant 0 : index
      %get3A_107 = arith.constant 0 : index
      %get3A_108 = vector.load %arg18[%get3A_106, %get3A_107] : memref<1x64xf32, #tpu.memory_space<vmem>>, vector<1x64xf32>
      %add3A_109 = arith.addf %get3A_108, %add3A_63 : vector<1x64xf32>
      %swap3A_110 = arith.constant 0 : index
      %swap3A_111 = arith.constant 0 : index
      %swap3A_112 = vector.load %arg18[%swap3A_110, %swap3A_111] : memref<1x64xf32, #tpu.memory_space<vmem>>, vector<1x64xf32>
      tpu.vector_store %arg18[%swap3A_110, %swap3A_111], %add3A_109 {strides = array<i32>} : memref<1x64xf32, #tpu.memory_space<vmem>>, vector<1x64xf32>,
    } else {
    }
    %convert_element_type3A_69 = arith.extui %and3A_7 : i1 to i32
    %cond3A_70 = arith.constant 0 : i32
    %cond3A_71 = arith.cmpi ne, %convert_element_type3A_69, %cond3A_70 : i32
    scf.if %cond3A_71 {
      %get3A_72 = arith.constant 0 : index
      %get3A_73 = arith.constant 0 : index
      %get3A_74 = vector.load %arg13[%get3A_72, %get3A_73] : memref<64x64xf32, #tpu.memory_space<vmem>>, vector<64x64xf32>
      %get3A_75 = arith.constant 0 : index
      %get3A_76 = arith.constant 0 : index
      %get3A_77 = vector.load %arg14[%get3A_75, %get3A_76] : memref<64x64xf32, #tpu.memory_space<vmem>>, vector<64x64xf32>
      %get3A_78 = arith.constant 0 : index
      %get3A_79 = arith.constant 0 : index
      %get3A_80 = vector.load %arg15[%get3A_78, %get3A_79] : memref<64x64xf32, #tpu.memory_space<vmem>>, vector<64x64xf32>
      %get3A_81 = arith.constant 0 : index
      %get3A_82 = arith.constant 0 : index
      %get3A_83 = vector.load %arg16[%get3A_81, %get3A_82] : memref<64x64xf32, #tpu.memory_space<vmem>>, vector<64x64xf32>
      %get3A_84 = arith.constant 0 : index
      %get3A_85 = arith.constant 0 : index
      %get3A_86 = vector.load %arg17[%get3A_84, %get3A_85] : memref<1x64xf32, #tpu.memory_space<vmem>>, vector<1x64xf32>
      %get3A_87 = arith.constant 0 : index
      %get3A_88 = arith.constant 0 : index
      %get3A_89 = vector.load %arg18[%get3A_87, %get3A_88] : memref<1x64xf32, #tpu.memory_space<vmem>>, vector<1x64xf32>
      %sub3A = arith.subf %get3A_74, %get3A_77 : vector<64x64xf32>
      %sub3A_90 = arith.subf %sub3A, %get3A_80 : vector<64x64xf32>
      %mul3A = arith.constant 8.000000e+00 : f32
      %mul3A_91 = vector.broadcast %mul3A : f32 to vector<64x64xf32>
      %mul3A_92 = arith.mulf %mul3A_91, %get3A_83 : vector<64x64xf32>
      %add3A_93 = arith.addf %sub3A_90, %mul3A_92 : vector<64x64xf32>
      %mul3A_94 = arith.constant 8.000000e+00 : f32
      %mul3A_95 = vector.broadcast %mul3A_94 : f32 to vector<64x64xf32>
      %mul3A_96 = arith.mulf %mul3A_95, %get3A_83 : vector<64x64xf32>
      %sub3A_97 = arith.subf %get3A_77, %mul3A_96 : vector<64x64xf32>
      %mul3A_98 = arith.constant 8.000000e+00 : f32
      %mul3A_99 = vector.broadcast %mul3A_98 : f32 to vector<64x64xf32>
      %mul3A_100 = arith.mulf %mul3A_99, %get3A_83 : vector<64x64xf32>
      %sub3A_101 = arith.subf %get3A_80, %mul3A_100 : vector<64x64xf32>
      %mul3A_102 = arith.constant 8.000000e+00 : f32
      %mul3A_103 = vector.broadcast %mul3A_102 : f32 to vector<64x64xf32>
      %mul3A_104 = arith.mulf %mul3A_103, %get3A_83 : vector<64x64xf32>
      %get3A_105 = arith.constant 0 : index
      %get3A_106 = arith.constant 0 : index
      %get3A_107 = vector.load %arg6[%get3A_105, %get3A_106] : memref<64x64xf32, #tpu.memory_space<vmem>>, vector<64x64xf32>
      %get3A_108 = arith.constant 0 : index
      %get3A_109 = arith.constant 0 : index
      %get3A_110 = vector.load %arg7[%get3A_108, %get3A_109] : memref<64x64xf32, #tpu.memory_space<vmem>>, vector<64x64xf32>
      %dot_general3A_111 = arith.constant dense<0.000000e+00> : vector<64x64xf32>
      %dot_general3A_112 = tpu.matmul %get3A_107, %add3A_93, %dot_general3A_111 {dimension_numbers = #tpu.dot_dimension_numbers<[1], [0], [0], [1], [0, 0, 1, 1], [], []>, transpose_lhs_hint = false} : vector<64x64xf32>, vector<64x64xf32>, vector<64x64xf32> -> vector<64x64xf32>
      %dot_general3A_113 = arith.constant dense<0.000000e+00> : vector<64x64xf32>
      %dot_general3A_114 = tpu.matmul %get3A_110, %sub3A_101, %dot_general3A_113 {dimension_numbers = #tpu.dot_dimension_numbers<[1], [0], [0], [1], [0, 0, 1, 1], [], []>, transpose_lhs_hint = false} : vector<64x64xf32>, vector<64x64xf32>, vector<64x64xf32> -> vector<64x64xf32>
      %add3A_115 = arith.addf %dot_general3A_112, %dot_general3A_114 : vector<64x64xf32>
      %dot_general3A_116 = arith.constant dense<0.000000e+00> : vector<64x64xf32>
      %dot_general3A_117 = tpu.matmul %get3A_107, %sub3A_97, %dot_general3A_116 {dimension_numbers = #tpu.dot_dimension_numbers<[1], [0], [0], [1], [0, 0, 1, 1], [], []>, transpose_lhs_hint = false} : vector<64x64xf32>, vector<64x64xf32>, vector<64x64xf32> -> vector<64x64xf32>
      %dot_general3A_118 = arith.constant dense<0.000000e+00> : vector<64x64xf32>
      %dot_general3A_119 = tpu.matmul %get3A_110, %mul3A_104, %dot_general3A_118 {dimension_numbers = #tpu.dot_dimension_numbers<[1], [0], [0], [1], [0, 0, 1, 1], [], []>, transpose_lhs_hint = false} : vector<64x64xf32>, vector<64x64xf32>, vector<64x64xf32> -> vector<64x64xf32>
      %add3A_120 = arith.addf %dot_general3A_117, %dot_general3A_119 : vector<64x64xf32>
      %mul3A_121 = arith.mulf %add3A_115, %get3A_107 : vector<64x64xf32>
      %reduce_sum3A_122 = arith.constant dense<0.000000e+00> : vector<64xf32>
      %reduce_sum3A_123 = vector.multi_reduction <add>, %mul3A_121, %reduce_sum3A_122 [1] : vector<64x64xf32> to vector<64xf32>
      %broadcast_in_dim3A_124 = vector.shape_cast %reduce_sum3A_123 : vector<64xf32> to vector<64x1xf32>
      %mul3A_125 = arith.mulf %add3A_120, %get3A_110 : vector<64x64xf32>
      %reduce_sum3A_126 = arith.constant dense<0.000000e+00> : vector<64xf32>
      %reduce_sum3A_127 = vector.multi_reduction <add>, %mul3A_125, %reduce_sum3A_126 [1] : vector<64x64xf32> to vector<64xf32>
      %broadcast_in_dim3A_128 = vector.shape_cast %reduce_sum3A_127 : vector<64xf32> to vector<64x1xf32>
      %add3A_129 = arith.addf %broadcast_in_dim3A_124, %broadcast_in_dim3A_128 : vector<64x1xf32>
      %div3A = arith.constant 1.310720e+05 : f32
      %div3A_130 = vector.broadcast %div3A : f32 to vector<64x1xf32>
      %div3A_131 = arith.divf %add3A_129, %div3A_130 : vector<64x1xf32>
      %mul3A_132 = arith.constant 8.000000e+00 : f32
      %mul3A_133 = vector.broadcast %mul3A_132 : f32 to vector<1x64xf32>
      %mul3A_134 = arith.mulf %mul3A_133, %get3A_89 : vector<1x64xf32>
      %sub3A_135 = arith.subf %get3A_86, %mul3A_134 : vector<1x64xf32>
      %mul3A_136 = arith.constant 8.000000e+00 : f32
      %mul3A_137 = vector.broadcast %mul3A_136 : f32 to vector<1x64xf32>
      %mul3A_138 = arith.mulf %mul3A_137, %get3A_89 : vector<1x64xf32>
      %dot_general3A_139 = arith.constant dense<0.000000e+00> : vector<64x1xf32>
      %dot_general3A_140 = tpu.matmul %get3A_107, %sub3A_135, %dot_general3A_139 {dimension_numbers = #tpu.dot_dimension_numbers<[1], [1], [0], [0], [0, 0, 1, 0], [], []>, transpose_lhs_hint = false} : vector<64x64xf32>, vector<1x64xf32>, vector<64x1xf32> -> vector<64x1xf32>
      %dot_general3A_141 = arith.constant dense<0.000000e+00> : vector<64x1xf32>
      %dot_general3A_142 = tpu.matmul %get3A_110, %mul3A_138, %dot_general3A_141 {dimension_numbers = #tpu.dot_dimension_numbers<[1], [1], [0], [0], [0, 0, 1, 0], [], []>, transpose_lhs_hint = false} : vector<64x64xf32>, vector<1x64xf32>, vector<64x1xf32> -> vector<64x1xf32>
      %add3A_143 = arith.addf %dot_general3A_140, %dot_general3A_142 : vector<64x1xf32>
      %div3A_144 = arith.constant 1.310720e+05 : f32
      %div3A_145 = vector.broadcast %div3A_144 : f32 to vector<64x1xf32>
      %div3A_146 = arith.divf %add3A_143, %div3A_145 : vector<64x1xf32>
      %mul3A_147 = arith.mulf %div3A_146, %div3A_146 : vector<64x1xf32>
      %sub3A_148 = arith.subf %div3A_131, %mul3A_147 : vector<64x1xf32>
      %get3A_149 = arith.constant 0 : index
      %get3A_150 = arith.constant 0 : index
      %get3A_151 = vector.load %arg8[%get3A_149, %get3A_150] : memref<64x1xf32, #tpu.memory_space<vmem>>, vector<64x1xf32>
      %add3A_152 = arith.constant 1.000000e-03 : f32
      %add3A_153 = vector.broadcast %add3A_152 : f32 to vector<64x1xf32>
      %add3A_154 = arith.addf %sub3A_148, %add3A_153 : vector<64x1xf32>
      %rsqrt3A = math.rsqrt %add3A_154 : vector<64x1xf32>
      %mul3A_155 = arith.mulf %get3A_151, %rsqrt3A : vector<64x1xf32>
      %mul3A_156 = vector.broadcast %mul3A_155 : vector<64x1xf32> to vector<64x64xf32>
      %mul3A_157 = arith.mulf %get3A_107, %mul3A_156 : vector<64x64xf32>
      %swap3A = arith.constant 0 : index
      %swap3A_158 = arith.constant 0 : index
      %swap3A_159 = vector.load %arg10[%swap3A, %swap3A_158] : memref<64x64xf32, #tpu.memory_space<vmem>>, vector<64x64xf32>
      tpu.vector_store %arg10[%swap3A, %swap3A_158], %mul3A_157 {strides = array<i32>} : memref<64x64xf32, #tpu.memory_space<vmem>>, vector<64x64xf32>,
      %sub3A_160 = arith.subf %get3A_110, %get3A_107 : vector<64x64xf32>
      %mul3A_161 = vector.broadcast %mul3A_155 : vector<64x1xf32> to vector<64x64xf32>
      %mul3A_162 = arith.mulf %sub3A_160, %mul3A_161 : vector<64x64xf32>
      %swap3A_163 = arith.constant 0 : index
      %swap3A_164 = arith.constant 0 : index
      %swap3A_165 = vector.load %arg11[%swap3A_163, %swap3A_164] : memref<64x64xf32, #tpu.memory_space<vmem>>, vector<64x64xf32>
      tpu.vector_store %arg11[%swap3A_163, %swap3A_164], %mul3A_162 {strides = array<i32>} : memref<64x64xf32, #tpu.memory_space<vmem>>, vector<64x64xf32>,
      %get3A_166 = arith.constant 0 : index
      %get3A_167 = arith.constant 0 : index
      %get3A_168 = vector.load %arg9[%get3A_166, %get3A_167] : memref<64x1xf32, #tpu.memory_space<vmem>>, vector<64x1xf32>
      %mul3A_169 = arith.mulf %div3A_146, %mul3A_155 : vector<64x1xf32>
      %sub3A_170 = arith.subf %get3A_168, %mul3A_169 : vector<64x1xf32>
      %swap3A_171 = arith.constant 0 : index
      %swap3A_172 = arith.constant 0 : index
      %swap3A_173 = vector.load %arg12[%swap3A_171, %swap3A_172] : memref<64x1xf32, #tpu.memory_space<vmem>>, vector<64x1xf32>
      tpu.vector_store %arg12[%swap3A_171, %swap3A_172], %sub3A_170 {strides = array<i32>} : memref<64x1xf32, #tpu.memory_space<vmem>>, vector<64x1xf32>,
    } else {
    }
    return
  }
  func.func @transform_0(%arg0: i32, %arg1: i32) -> (i32, i32, i32, i32) {
    %c0_i32 = arith.constant 0 : i32
    %c0_i32_0 = arith.constant 0 : i32
    %c0_i32_1 = arith.constant 0 : i32
    return %arg0, %c0_i32, %arg1, %c0_i32_0 : i32, i32, i32, i32
  }
  func.func @transform_1(%arg0: i32, %arg1: i32) -> (i32, i32, i32, i32) {
    %c0_i32 = arith.constant 0 : i32
    %c0_i32_0 = arith.constant 0 : i32
    %c0_i32_1 = arith.constant 0 : i32
    return %arg0, %c0_i32, %arg1, %c0_i32_0 : i32, i32, i32, i32
  }
  func.func @transform_2(%arg0: i32, %arg1: i32) -> (i32, i32, i32) {
    %c0_i32 = arith.constant 0 : i32
    %c0_i32_0 = arith.constant 0 : i32
    return %arg0, %arg1, %c0_i32 : i32, i32, i32
  }
  func.func @transform_3(%arg0: i32, %arg1: i32) -> (i32, i32, i32) {
    %add3A = arith.constant 4 : i32
    %add3A_0 = arith.addi %arg0, %add3A : i32
    %c0_i32 = arith.constant 0 : i32
    %c0_i32_1 = arith.constant 0 : i32
    return %add3A_0, %arg1, %c0_i32 : i32, i32, i32
  }
  func.func @transform_4(%arg0: i32, %arg1: i32) -> (i32, i32) {
    %c0_i32 = arith.constant 0 : i32
    %c0_i32_0 = arith.constant 0 : i32
    %c0_i32_1 = arith.constant 0 : i32
    return %c0_i32, %c0_i32_0 : i32, i32
  }
  func.func @transform_5(%arg0: i32, %arg1: i32) -> (i32, i32) {
    %c0_i32 = arith.constant 0 : i32
    %c0_i32_0 = arith.constant 0 : i32
    %c0_i32_1 = arith.constant 0 : i32
    return %c0_i32, %c0_i32_0 : i32, i32
  }
  func.func @transform_6(%arg0: i32, %arg1: i32) -> (i32, i32) {
    %c0_i32 = arith.constant 0 : i32
    %c0_i32_0 = arith.constant 0 : i32
    %c0_i32_1 = arith.constant 0 : i32
    return %c0_i32, %c0_i32_0 : i32, i32
  }
  func.func @transform_7(%arg0: i32, %arg1: i32) -> (i32, i32) {
    %c0_i32 = arith.constant 0 : i32
    %c0_i32_0 = arith.constant 0 : i32
    %c0_i32_1 = arith.constant 0 : i32
    return %c0_i32, %c0_i32_0 : i32, i32
  }
  func.func @transform_8(%arg0: i32, %arg1: i32) -> (i32, i32) {
    %c0_i32 = arith.constant 0 : i32
    %c0_i32_0 = arith.constant 0 : i32
    %c0_i32_1 = arith.constant 0 : i32
    return %c0_i32, %c0_i32_0 : i32, i32
  }
  func.func @transform_9(%arg0: i32, %arg1: i32) -> (i32, i32) {
    %c0_i32 = arith.constant 0 : i32
    %c0_i32_0 = arith.constant 0 : i32
    %c0_i32_1 = arith.constant 0 : i32
    return %c0_i32, %c0_i32_0 : i32, i32
  }
  func.func @transform_10(%arg0: i32, %arg1: i32) -> (i32, i32) {
    %c0_i32 = arith.constant 0 : i32
    %c0_i32_0 = arith.constant 0 : i32
    %c0_i32_1 = arith.constant 0 : i32
    return %c0_i32, %c0_i32_0 : i32, i32
  }
}

module attributes {stable_mosaic.version = 14 : i64} {
  func.func @_edge_kernel(%arg0: i32, %arg1: i32, %arg2: memref<1x8x256x64xf32, #tpu.memory_space<vmem>>, %arg3: memref<1x8x256x64xf32, #tpu.memory_space<vmem>>, %arg4: memref<1x256x64xf32, #tpu.memory_space<vmem>>, %arg5: memref<1x256x64xf32, #tpu.memory_space<vmem>>, %arg6: memref<64x64xf32, #tpu.memory_space<vmem>>, %arg7: memref<64x64xf32, #tpu.memory_space<vmem>>, %arg8: memref<1x64xf32, #tpu.memory_space<vmem>>, %arg9: memref<1x256x64xf32, #tpu.memory_space<vmem>>, %arg10: memref<1x256x64xf32, #tpu.memory_space<vmem>>) attributes {dimension_semantics = [#tpu.dimension_semantics<arbitrary>, #tpu.dimension_semantics<arbitrary>], iteration_bounds = array<i64: 4, 8>, scalar_prefetch = 0 : i64, scratch_operands = 0 : i64, tpu.core_type = #tpu.core_type<tc>, window_params = [{transform_indices = @transform_0, window_bounds = array<i64: 1, 8, 256, 64>}, {transform_indices = @transform_1, window_bounds = array<i64: 1, 8, 256, 64>}, {transform_indices = @transform_2, window_bounds = array<i64: 1, 256, 64>}, {transform_indices = @transform_3, window_bounds = array<i64: 1, 256, 64>}, {pipeline_mode = #tpu.pipeline_mode<synchronous>, transform_indices = @transform_4, window_bounds = array<i64: 64, 64>}, {pipeline_mode = #tpu.pipeline_mode<synchronous>, transform_indices = @transform_5, window_bounds = array<i64: 64, 64>}, {pipeline_mode = #tpu.pipeline_mode<synchronous>, transform_indices = @transform_6, window_bounds = array<i64: 1, 64>}, {transform_indices = @transform_7, window_bounds = array<i64: 1, 256, 64>}, {transform_indices = @transform_8, window_bounds = array<i64: 1, 256, 64>}]} {
    %get3A = arith.constant 0 : index
    %get3A_0 = arith.constant 0 : index
    %get3A_1 = arith.constant 0 : index
    %get3A_2 = arith.constant 0 : index
    %get3A_3 = vector.load %arg2[%get3A, %get3A_0, %get3A_1, %get3A_2] : memref<1x8x256x64xf32, #tpu.memory_space<vmem>>, vector<1x8x256x64xf32>
    %get3A_4 = vector.shape_cast %get3A_3 : vector<1x8x256x64xf32> to vector<8x256x64xf32>
    %reshape3A = vector.shape_cast %get3A_4 : vector<8x256x64xf32> to vector<2048x64xf32>
    %get3A_5 = arith.constant 0 : index
    %get3A_6 = arith.constant 0 : index
    %get3A_7 = vector.load %arg6[%get3A_5, %get3A_6] : memref<64x64xf32, #tpu.memory_space<vmem>>, vector<64x64xf32>
    %dot_general3A = arith.constant dense<0.000000e+00> : vector<2048x64xf32>
    %dot_general3A_8 = tpu.matmul %reshape3A, %get3A_7, %dot_general3A {dimension_numbers = #tpu.dot_dimension_numbers<[1], [1], [0], [0], [0, 0, 1, 0], [], []>, transpose_lhs_hint = false} : vector<2048x64xf32>, vector<64x64xf32>, vector<2048x64xf32> -> vector<2048x64xf32>
    %reshape3A_9 = vector.shape_cast %dot_general3A_8 : vector<2048x64xf32> to vector<8x256x64xf32>
    %get3A_10 = arith.constant 0 : index
    %get3A_11 = arith.constant 0 : index
    %get3A_12 = arith.constant 0 : index
    %get3A_13 = vector.load %arg4[%get3A_10, %get3A_11, %get3A_12] : memref<1x256x64xf32, #tpu.memory_space<vmem>>, vector<1x256x64xf32>
    %get3A_14 = vector.shape_cast %get3A_13 : vector<1x256x64xf32> to vector<256x64xf32>
    %get3A_15 = arith.constant 0 : index
    %get3A_16 = arith.constant 0 : index
    %get3A_17 = vector.load %arg7[%get3A_15, %get3A_16] : memref<64x64xf32, #tpu.memory_space<vmem>>, vector<64x64xf32>
    %dot_general3A_18 = arith.constant dense<0.000000e+00> : vector<256x64xf32>
    %dot_general3A_19 = tpu.matmul %get3A_14, %get3A_17, %dot_general3A_18 {dimension_numbers = #tpu.dot_dimension_numbers<[1], [1], [0], [0], [0, 0, 1, 0], [], []>, transpose_lhs_hint = false} : vector<256x64xf32>, vector<64x64xf32>, vector<256x64xf32> -> vector<256x64xf32>
    %get3A_20 = arith.constant 0 : index
    %get3A_21 = arith.constant 0 : index
    %get3A_22 = vector.load %arg8[%get3A_20, %get3A_21] : memref<1x64xf32, #tpu.memory_space<vmem>>, vector<1x64xf32>
    %add3A = vector.broadcast %get3A_22 : vector<1x64xf32> to vector<256x64xf32>
    %add3A_23 = arith.addf %dot_general3A_19, %add3A : vector<256x64xf32>
    %broadcast_in_dim3A = vector.shape_cast %add3A_23 : vector<256x64xf32> to vector<1x256x64xf32>
    %add3A_24 = vector.broadcast %broadcast_in_dim3A : vector<1x256x64xf32> to vector<8x256x64xf32>
    %add3A_25 = arith.addf %reshape3A_9, %add3A_24 : vector<8x256x64xf32>
    %ge3A = arith.constant 0.000000e+00 : f32
    %ge3A_26 = vector.broadcast %ge3A : f32 to vector<8x256x64xf32>
    %ge3A_27 = arith.cmpf oge, %add3A_25, %ge3A_26 : vector<8x256x64xf32>
    %mul3A = arith.constant 2.000000e-01 : f32
    %mul3A_28 = vector.broadcast %mul3A : f32 to vector<8x256x64xf32>
    %mul3A_29 = arith.mulf %mul3A_28, %add3A_25 : vector<8x256x64xf32>
    %select_n3A = arith.select %ge3A_27, %add3A_25, %mul3A_29 : vector<8x256x64xi1>, vector<8x256x64xf32>
    %reduce_max3A = arith.constant dense<0xFF800000> : vector<256x64xf32>
    %reduce_max3A_30 = vector.multi_reduction <maximumf>, %select_n3A, %reduce_max3A [0] : vector<8x256x64xf32> to vector<256x64xf32>
    %swap3A = arith.constant 0 : index
    %swap3A_31 = arith.constant 0 : index
    %swap3A_32 = arith.constant 0 : index
    %swap3A_33 = vector.load %arg9[%swap3A, %swap3A_31, %swap3A_32] : memref<1x256x64xf32, #tpu.memory_space<vmem>>, vector<1x256x64xf32>
    %swap3A_34 = vector.shape_cast %swap3A_33 : vector<1x256x64xf32> to vector<256x64xf32>
    %swap3A_35 = vector.shape_cast %reduce_max3A_30 : vector<256x64xf32> to vector<1x256x64xf32>
    tpu.vector_store %arg9[%swap3A, %swap3A_31, %swap3A_32], %swap3A_35 {strides = array<i32>} : memref<1x256x64xf32, #tpu.memory_space<vmem>>, vector<1x256x64xf32>,
    %get3A_36 = arith.constant 0 : index
    %get3A_37 = arith.constant 0 : index
    %get3A_38 = arith.constant 0 : index
    %get3A_39 = arith.constant 0 : index
    %get3A_40 = vector.load %arg3[%get3A_36, %get3A_37, %get3A_38, %get3A_39] : memref<1x8x256x64xf32, #tpu.memory_space<vmem>>, vector<1x8x256x64xf32>
    %get3A_41 = vector.shape_cast %get3A_40 : vector<1x8x256x64xf32> to vector<8x256x64xf32>
    %reshape3A_42 = vector.shape_cast %get3A_41 : vector<8x256x64xf32> to vector<2048x64xf32>
    %get3A_43 = arith.constant 0 : index
    %get3A_44 = arith.constant 0 : index
    %get3A_45 = vector.load %arg6[%get3A_43, %get3A_44] : memref<64x64xf32, #tpu.memory_space<vmem>>, vector<64x64xf32>
    %dot_general3A_46 = arith.constant dense<0.000000e+00> : vector<2048x64xf32>
    %dot_general3A_47 = tpu.matmul %reshape3A_42, %get3A_45, %dot_general3A_46 {dimension_numbers = #tpu.dot_dimension_numbers<[1], [1], [0], [0], [0, 0, 1, 0], [], []>, transpose_lhs_hint = false} : vector<2048x64xf32>, vector<64x64xf32>, vector<2048x64xf32> -> vector<2048x64xf32>
    %reshape3A_48 = vector.shape_cast %dot_general3A_47 : vector<2048x64xf32> to vector<8x256x64xf32>
    %get3A_49 = arith.constant 0 : index
    %get3A_50 = arith.constant 0 : index
    %get3A_51 = arith.constant 0 : index
    %get3A_52 = vector.load %arg5[%get3A_49, %get3A_50, %get3A_51] : memref<1x256x64xf32, #tpu.memory_space<vmem>>, vector<1x256x64xf32>
    %get3A_53 = vector.shape_cast %get3A_52 : vector<1x256x64xf32> to vector<256x64xf32>
    %get3A_54 = arith.constant 0 : index
    %get3A_55 = arith.constant 0 : index
    %get3A_56 = vector.load %arg7[%get3A_54, %get3A_55] : memref<64x64xf32, #tpu.memory_space<vmem>>, vector<64x64xf32>
    %dot_general3A_57 = arith.constant dense<0.000000e+00> : vector<256x64xf32>
    %dot_general3A_58 = tpu.matmul %get3A_53, %get3A_56, %dot_general3A_57 {dimension_numbers = #tpu.dot_dimension_numbers<[1], [1], [0], [0], [0, 0, 1, 0], [], []>, transpose_lhs_hint = false} : vector<256x64xf32>, vector<64x64xf32>, vector<256x64xf32> -> vector<256x64xf32>
    %get3A_59 = arith.constant 0 : index
    %get3A_60 = arith.constant 0 : index
    %get3A_61 = vector.load %arg8[%get3A_59, %get3A_60] : memref<1x64xf32, #tpu.memory_space<vmem>>, vector<1x64xf32>
    %add3A_62 = vector.broadcast %get3A_61 : vector<1x64xf32> to vector<256x64xf32>
    %add3A_63 = arith.addf %dot_general3A_58, %add3A_62 : vector<256x64xf32>
    %broadcast_in_dim3A_64 = vector.shape_cast %add3A_63 : vector<256x64xf32> to vector<1x256x64xf32>
    %add3A_65 = vector.broadcast %broadcast_in_dim3A_64 : vector<1x256x64xf32> to vector<8x256x64xf32>
    %add3A_66 = arith.addf %reshape3A_48, %add3A_65 : vector<8x256x64xf32>
    %ge3A_67 = arith.constant 0.000000e+00 : f32
    %ge3A_68 = vector.broadcast %ge3A_67 : f32 to vector<8x256x64xf32>
    %ge3A_69 = arith.cmpf oge, %add3A_66, %ge3A_68 : vector<8x256x64xf32>
    %mul3A_70 = arith.constant 2.000000e-01 : f32
    %mul3A_71 = vector.broadcast %mul3A_70 : f32 to vector<8x256x64xf32>
    %mul3A_72 = arith.mulf %mul3A_71, %add3A_66 : vector<8x256x64xf32>
    %select_n3A_73 = arith.select %ge3A_69, %add3A_66, %mul3A_72 : vector<8x256x64xi1>, vector<8x256x64xf32>
    %reduce_max3A_74 = arith.constant dense<0xFF800000> : vector<256x64xf32>
    %reduce_max3A_75 = vector.multi_reduction <maximumf>, %select_n3A_73, %reduce_max3A_74 [0] : vector<8x256x64xf32> to vector<256x64xf32>
    %swap3A_76 = arith.constant 0 : index
    %swap3A_77 = arith.constant 0 : index
    %swap3A_78 = arith.constant 0 : index
    %swap3A_79 = vector.load %arg10[%swap3A_76, %swap3A_77, %swap3A_78] : memref<1x256x64xf32, #tpu.memory_space<vmem>>, vector<1x256x64xf32>
    %swap3A_80 = vector.shape_cast %swap3A_79 : vector<1x256x64xf32> to vector<256x64xf32>
    %swap3A_81 = vector.shape_cast %reduce_max3A_75 : vector<256x64xf32> to vector<1x256x64xf32>
    tpu.vector_store %arg10[%swap3A_76, %swap3A_77, %swap3A_78], %swap3A_81 {strides = array<i32>} : memref<1x256x64xf32, #tpu.memory_space<vmem>>, vector<1x256x64xf32>,
    return
  }
  func.func @transform_0(%arg0: i32, %arg1: i32) -> (i32, i32, i32, i32) {
    %c0_i32 = arith.constant 0 : i32
    %c0_i32_0 = arith.constant 0 : i32
    %c0_i32_1 = arith.constant 0 : i32
    return %arg0, %c0_i32, %arg1, %c0_i32_0 : i32, i32, i32, i32
  }
  func.func @transform_1(%arg0: i32, %arg1: i32) -> (i32, i32, i32, i32) {
    %c0_i32 = arith.constant 0 : i32
    %c0_i32_0 = arith.constant 0 : i32
    %c0_i32_1 = arith.constant 0 : i32
    return %arg0, %c0_i32, %arg1, %c0_i32_0 : i32, i32, i32, i32
  }
  func.func @transform_2(%arg0: i32, %arg1: i32) -> (i32, i32, i32) {
    %c0_i32 = arith.constant 0 : i32
    %c0_i32_0 = arith.constant 0 : i32
    return %arg0, %arg1, %c0_i32 : i32, i32, i32
  }
  func.func @transform_3(%arg0: i32, %arg1: i32) -> (i32, i32, i32) {
    %add3A = arith.constant 4 : i32
    %add3A_0 = arith.addi %arg0, %add3A : i32
    %c0_i32 = arith.constant 0 : i32
    %c0_i32_1 = arith.constant 0 : i32
    return %add3A_0, %arg1, %c0_i32 : i32, i32, i32
  }
  func.func @transform_4(%arg0: i32, %arg1: i32) -> (i32, i32) {
    %c0_i32 = arith.constant 0 : i32
    %c0_i32_0 = arith.constant 0 : i32
    %c0_i32_1 = arith.constant 0 : i32
    return %c0_i32, %c0_i32_0 : i32, i32
  }
  func.func @transform_5(%arg0: i32, %arg1: i32) -> (i32, i32) {
    %c0_i32 = arith.constant 0 : i32
    %c0_i32_0 = arith.constant 0 : i32
    %c0_i32_1 = arith.constant 0 : i32
    return %c0_i32, %c0_i32_0 : i32, i32
  }
  func.func @transform_6(%arg0: i32, %arg1: i32) -> (i32, i32) {
    %c0_i32 = arith.constant 0 : i32
    %c0_i32_0 = arith.constant 0 : i32
    %c0_i32_1 = arith.constant 0 : i32
    return %c0_i32, %c0_i32_0 : i32, i32
  }
  func.func @transform_7(%arg0: i32, %arg1: i32) -> (i32, i32, i32) {
    %c0_i32 = arith.constant 0 : i32
    %c0_i32_0 = arith.constant 0 : i32
    return %arg0, %arg1, %c0_i32 : i32, i32, i32
  }
  func.func @transform_8(%arg0: i32, %arg1: i32) -> (i32, i32, i32) {
    %c0_i32 = arith.constant 0 : i32
    %c0_i32_0 = arith.constant 0 : i32
    return %arg0, %arg1, %c0_i32 : i32, i32, i32
  }
}

</mosaic_0001>

<sc_bundles>
// kernel: kernel.11.cloned.1.call-start
scs
__scs_entry_jumppad:
0x0: {  	(pc) =	sbr.rel $0x88, $3  }
0x1: {  	(tag) =	ssettag $0x0;
	lr =	simm.s32 $0x1  }
0x2: {  	[smem:$0x3F9C] =	sst lr;
	_ =	strace $0xD0000000  }
0x3: {  	_ = 	snop  }
0x4: {  	_ = 	snop  }
0x5: {  	_ = 	snop  }
0x6: {  	_ = 	snop  }
0x7: {  	_ = 	snop  }
__scs_overlays_trampoline_lowered:
0x8: {  	[smem:$0x3FAB] =	sst s0  }
0x9: {  	[smem:$0x3FAC] =	sst s1  }
0xa: {  	[smem:$0x3FAD] =	sst s2  }
0xb: {  	[smem:$0x3FAE] =	sst s3  }
0xc: {  	[smem:$0x3FAF] =	sst s4  }
0xd: {  	[smem:$0x3FB0] =	sst s5  }
0xe: {  	[smem:$0x3FB1] =	sst s6  }
0xf: {  	[smem:$0x3FB2] =	sst s7  }
0x10: {  	[smem:$0x3FB3] =	sst s8  }
0x11: {  	[smem:$0x3FB4] =	sst s9;
	s0 =	simm.s32 @!p0 $0x0  }
0x12: {  	s1 =	sld [smem:$0x3F9A];
	s0 =	simm.s32 @p0 $0x1  }
0x13: {  	[smem:$0x3FB5] =	sst s0;
	s0 =	simm.s32 @!p1 $0x0  }
0x14: {  	s2 =	sld [smem:$0x3F99];
	s0 =	simm.s32 @p1 $0x1  }
0x15: {  	[smem:$0x3FB6] =	sst s0;
	s0 =	simm.s32 @!p2 $0x0  }
0x16: {  	s3 =	sld [smem:$0x3FDB];
	s0 =	simm.s32 @p2 $0x1  }
0x17: {  	s4 =	simm.s32 $0x1BF5;
	[smem:$0x3FB8] =	sst s0  }
0x18: {  	s0 =	sld [smem:$0x3F9B];
	_ =	swait.ge [sflag:s4], $0x0  }
0x19: {  	s7 =	sld [smem:$0x3F9C]  }
0x1a: {  	s8 =	sadd.s32 $0xFFFFE003, lr  }
0x1b: {  	s9 =	sadd.s32 $0xFFFFFEF7, lr;
	s5 =	simm.s32 $0xFFFFFFFF;
	p2 =	slt.u32 s8, $0xFFFFF086  }
0x1c: {  	p1 =	slt.u32 s9, $0xF7A;
	s5 =	simm.s32 @!p2 $0x0  }
0x1d: {  	s5 =	simm.s32 @p1 $0x1;
	p0 =	seq.s32 s7, s2  }
0x1e: {  	s7 =	smul.u32 @!p0 $0xF7A, s2;
	p2 =	seq.s32 @!p0 s5, $0x0  }
0x1f: {  	s9 =	smul.u32 $0xF7A, s1;
	s8 =	simm.s32 @!p0 $0x1BF5;
	p2 =	por !p2, p0  }
0x20: {  	[sflag:s8] =	ssyncset.s32 @!p0 $0xFFFFF086;
	s6 =	sadd.s32 @!p0 s3, s7;
	s7 =	simm.s32 @!p0 $0x108  }
0x21: {  	s3 =	sadd.s32 s3, s9;
	s6 =	sadd.s32 @!p0 $0x88, s6;
	s7 =	simm.s32 @p2 $0x1082  }
0x22: {  	[simem:s7], [sflag:s8] =	dma.local @!p0 [hbm:s6], $0xF7A  }
0x23: {  	s9 =	sor.u32 $0xD0000000, s2;
	s6 =	simm.s32 $0x108;
	_ =	swait.ge @!p0 [sflag:s8], $0x0  }
0x24: {  	s3 =	sadd.s32 $0x88, s3;
	s6 =	simm.s32 @!p1 $0x1082;
	[sflag:s4] =	ssyncset.s32 $0xFFFFF086  }
0x25: {  	[simem:s6], [sflag:s4] =	dma.local [hbm:s3], $0xF7A  }
0x26: {  	[smem:$0x3F9C] =	sst s1;
	(tag) =	ssettag s2;
	_ =	strace s9  }
0x27: {  	s1 =	sld [smem:$0x3FAC]  }
0x28: {  	s2 =	sld [smem:$0x3FAD]  }
0x29: {  	s4 =	sld [smem:$0x3FAF]  }
0x2a: {  	p0 =	seq.s32 s5, $0x0;
	s5 =	sld [smem:$0x3FB0]  }
0x2b: {  	s6 =	sld [smem:$0x3FB1]  }
0x2c: {  	s7 =	sld [smem:$0x3FB2]  }
0x2d: {  	s3 =	simm.s32 $0x108;
	s8 =	sld [smem:$0x3FB3]  }
0x2e: {  	s3 =	simm.s32 @!p0 $0x1082;
	s9 =	sld [smem:$0x3FB4]  }
0x2f: {  	lr =	sadd.s32 s0, s3;
	s0 =	sld [smem:$0x3FAB]  }
0x30: {  	s3 =	sld [smem:$0x3FAE]  }
0x31: {  	[smem:$0x3FB7] =	sst s10  }
0x32: {  	s10 =	sld [smem:$0x3FB5];
	_ =	sdelay $0x3  }
0x33: {  	p0 =	seq.s32 s10, $0x1;
	s10 =	sld [smem:$0x3FB7];
	_ =	sdelay $0x3  }
0x34: {  	[smem:$0x3FB7] =	sst s10  }
0x35: {  	s10 =	sld [smem:$0x3FB6];
	_ =	sdelay $0x3  }
0x36: {  	p1 =	seq.s32 s10, $0x1;
	s10 =	sld [smem:$0x3FB7];
	_ =	sdelay $0x3  }
0x37: {  	[smem:$0x3FB7] =	sst s10  }
0x38: {  	s10 =	sld [smem:$0x3FB8]  }
0x39: {  	_ = 	snop;
	(pc) =	sbr.ind lr, $3  }
0x3a: {  	_ = 	snop  }
0x3b: {  	_ = 	snop  }
0x3c: {  	p2 =	seq.s32 s10, $0x1;
	s10 =	sld [smem:$0x3FB7]  }
0x3d: {  	_ =	shalt  }
0x3e: {  	_ =	shalt  }
0x3f: {  	_ =	shalt  }
0x40: {  	_ =	shalt  }
0x41: {  	_ =	shalt  }
0x42: {  	_ =	shalt  }
0x43: {  	_ =	shalt  }
0x44: {  	_ =	shalt  }
0x45: {  	_ =	shalt  }
0x46: {  	_ =	shalt  }
0x47: {  	_ =	shalt  }
0x48: {  	_ =	shalt  }
0x49: {  	_ =	shalt  }
0x4a: {  	_ =	shalt  }
0x4b: {  	_ =	shalt  }
0x4c: {  	_ =	shalt  }
0x4d: {  	_ =	shalt  }
0x4e: {  	_ =	shalt  }
0x4f: {  	_ =	shalt  }
0x50: {  	_ =	shalt  }
0x51: {  	_ =	shalt  }
0x52: {  	_ =	shalt  }
0x53: {  	_ =	shalt  }
0x54: {  	_ =	shalt  }
0x55: {  	_ =	shalt  }
0x56: {  	_ =	shalt  }
0x57: {  	_ =	shalt  }
0x58: {  	_ =	shalt  }
0x59: {  	_ =	shalt  }
0x5a: {  	_ =	shalt  }
0x5b: {  	_ =	shalt  }
0x5c: {  	_ =	shalt  }
0x5d: {  	_ =	shalt  }
0x5e: {  	_ =	shalt  }
0x5f: {  	_ =	shalt  }
0x60: {  	_ =	shalt  }
0x61: {  	_ =	shalt  }
0x62: {  	_ =	shalt  }
0x63: {  	_ =	shalt  }
0x64: {  	_ =	shalt  }
0x65: {  	_ =	shalt  }
0x66: {  	_ =	shalt  }
0x67: {  	_ =	shalt  }
0x68: {  	_ =	shalt  }
0x69: {  	_ =	shalt  }
0x6a: {  	_ =	shalt  }
0x6b: {  	_ =	shalt  }
0x6c: {  	_ =	shalt  }
0x6d: {  	_ =	shalt  }
0x6e: {  	_ =	shalt  }
0x6f: {  	_ =	shalt  }
0x70: {  	_ =	shalt  }
0x71: {  	_ =	shalt  }
0x72: {  	_ =	shalt  }
0x73: {  	_ =	shalt  }
0x74: {  	_ =	shalt  }
0x75: {  	_ =	shalt  }
0x76: {  	_ =	shalt  }
0x77: {  	_ =	shalt  }
0x78: {  	_ =	shalt  }
0x79: {  	_ =	shalt  }
0x7a: {  	_ =	shalt  }
0x7b: {  	_ =	shalt  }
0x7c: {  	_ =	shalt  }
0x7d: {  	_ =	shalt  }
0x7e: {  	_ =	shalt  }
0x7f: {  	_ =	shalt  }
0x80: {  	_ =	shalt  }
0x81: {  	_ =	shalt  }
0x82: {  	_ =	shalt  }
0x83: {  	_ =	shalt  }
0x84: {  	_ =	shalt  }
0x85: {  	_ =	shalt  }
0x86: {  	_ =	shalt  }
0x87: {  	_ =	shalt  }
.Lfunc_end0:
.L_simem_size_0:
called_computation.1_lowered:
.L_overlay_start_0:
0x88: {  	s2 =	sld [smem:$0x3FD9]  }
0x89: {  	s3 =	sld [smem:$0x3FFE];
	_ =	sdelay $0x1  }
0x8a: {  	s1 =	srdreg.scid  }
0x8b: {  	s0 =	sand.u32 $0x1, s1  }
0x8c: {  	s17 =	sshll.u32 s0, $0xA;
	s2 =	sadd.s32 s3, s2  }
0x8d: {  	s2 =	sadd.s32 s2, s17  }
0x8e: {  	[smem:$0x3FC3] =	sst s2  }
0x8f: {  	_ = 	snop  }
0x90: {  	s18 =	sld [smem:$0x3FD0];
	(tm) =	ssettm $0x1  }
0x91: {  	s19 =	sld [smem:$0x3FFB];
	_ =	sdelay $0x3  }
0x92: {  	_ =	strace s19  }
0x93: {  	s2 =	sld [smem:$0x3FFC];
	_ =	sdelay $0x3  }
0x94: {  	_ =	strace s2  }
0x95: {  	s2 =	sld [smem:$0x3FFD];
	_ =	sdelay $0x3  }
0x96: {  	_ =	strace s2  }
0x97: {  	_ =	strace $0x8FFFFFFF  }
0x98: {  	s20 =	sld [smem:$0x3FDB];
	_ =	sdelay $0x1  }
0x99: {  	s4 =	simm.s32 $_scs_section_size  }
0x9a: {  	s5 =	simm.s32 $_size__tile_overlayer_lowered;
	s6 =	simm.s32 $_tile_overlayer_lowered  }
0x9b: {  	s7 =	simm.s32 $0x1BFF;
	s21 =	sshll.u32 s6, $0x1;
	s4 =	sadd.s32 s4, s20  }
0x9c: {  	s22 =	simm.s32 $0x0;
	s5 =	sshll.u32 s5, $0x1;
	s6 =	sadd.s32 s21, s4  }
0x9d: {  	[timem:s22], [sflag:s7] =	dma.local [hbm:s6], s5  }
0x9e: {  	_ =	swait.ge [sflag:s7], s5  }
0x9f: {  	s5 =	ssub.s32 $0x0, s5;
	[sflag:s7] =	ssyncset.done $0x0  }
0xa0: {  	[sflag:s7] =	ssyncadd.s32 s5;
	_ =	sdelay $0x1  }
0xa1: {  	s23 =	simm.s32 $0x1B8B  }
0xa2: {  	_ =	swait.ge [sflag:s23], $0x1  }
0xa3: {  	[sflag:s23] =	ssyncset.done $0x0  }
0xa4: {  	[sflag:s23] =	ssyncadd.s32 $0xFFFFFFFF  }
0xa5: {  	s5 =	sld [smem:$0x0]  }
0xa6: {  	s6 =	sand.u32 $0xFFFFFFFE, s1  }
0xa7: {  	p0 =	sne.s32 s1, s6  }
0xa8: {  	s6 =	sshll.u32 @p0 s6, $0xE  }
0xa9: {  	s6 =	sadd.s32 @p0 $0x11B8D, s6;
	s7 =	sshll.u32 @p0 s5, $0x11  }
0xaa: {  	s6 =	sor.u32 @p0 s7, s6  }
0xab: {  	[sflag:s6] =	ssyncadd.remote.s32 @p0 $0x1;
	_ =	sdelay $0x1  }
0xac: {  	s6 =	simm.s32 @p0 $0x1B8D  }
0xad: {  	_ =	swait.eq @p0 [sflag:s6], $0x1  }
0xae: {  	[sflag:s6] =	ssyncadd.s32 @p0 $0xFFFFFFFF  }
0xaf: {  	s7 =	sshll.u32 @!p0 s1, $0xE  }
0xb0: {  	s7 =	sor.u32 @!p0 $0x4000, s7;
	s6 =	simm.s32 @!p0 $0x1B8D  }
0xb1: {  	s5 =	sshll.u32 @!p0 s5, $0x11;
	s7 =	sadd.s32 @!p0 $0x11B8D, s7;
	_ =	swait.eq @!p0 [sflag:s6], $0x1  }
0xb2: {  	s5 =	sor.u32 @!p0 s5, s7;
	[sflag:s6] =	ssyncadd.s32 @!p0 $0xFFFFFFFF  }
0xb3: {  	s25 =	simm.s32 $0x1B8E;
	s24 =	sld [smem:$0x3FFE];
	[sflag:s5] =	ssyncadd.remote.s32 @!p0 $0x1  }
0xb4: {  	s26 =	simm.s32 $execute0_lowered;
	[smem:$0x3FD2] =	sst s25  }
0xb5: {  	s6 =	sshll.u32 s26, $0x1;
	_ =	strace $0x80000049;
	[dreg:$0x1] =	wrdreg $0xFFFFFFFF  }
0xb6: {  	s28 =	simm.s32 $_size_execute0_lowered;
	s4 =	sadd.s32 s4, s6;
	[dreg:$0x0] =	wrdreg $0x0  }
0xb7: {  	s6 =	sshll.u32 s28, $0x1;
	[dreg:$0x2] =	wrdreg s4  }
0xb8: {  	[dreg:$0x3] =	wrdreg s6  }
0xb9: {  	[dreg:$0x4] =	wrdreg $0xC0  }
0xba: {  	_ =	task [dreg:s22], $0x5FFFF  }
0xbb: {  	[dreg:$0x1] =	wrdreg $0xFFFFFFFF  }
0xbc: {  	[dreg:$0x0] =	wrdreg $0x60  }
0xbd: {  	[dreg:$0x2] =	wrdreg s18  }
0xbe: {  	[dreg:$0x3] =	wrdreg s24  }
0xbf: {  	[dreg:$0x4] =	wrdreg $0xA  }
0xc0: {  	_ =	task.clear_ibuf [dreg:s22], $0x5FFFF;
	_ =	strace $0x90000049  }
0xc1: {  	s29 =	simm.s32 $0xA;
	_ =	strace $0x8000004B  }
0xc2: {  	_ =	swait.ge [sflag:s29], $0x1  }
0xc3: {  	[sflag:s29] =	ssyncadd.s32 $0xFFFFFFFF  }
0xc4: {  	_ =	strace $0x9000004B  }
0xc5: {  	_ =	sfence  }
0xc6: {  	s30 =	sld [smem:$0x0];
	_ =	sdelay $0x2  }
0xc7: {  	s31 =	sshll.u32 s1, $0xD;
	s1 =	sshrl.u32 s1, $0x2  }
0xc8: {  	s4 =	sand.u32 $0x4000, s31;
	s1 =	sadd.s32 s1, s30  }
0xc9: {  	s0 =	sor.u32 s4, s0;
	s1 =	sshll.u32 s1, $0x11  }
0xca: {  	s0 =	sor.u32 s1, s0  }
0xcb: {  	s0 =	sadd.s32 $0x8F2B, s0  }
0xcc: {  	[sflag:s0] =	ssyncadd.remote.s32 $0x1  }
0xcd: {  	_ =	sfence.sel $0xFFFF  }
0xce: {  	[dreg:$0x0] =	wrdreg $0xFFFFFFFF;
	(pc) =	sbr.abs _section_cstart, $3  }
0xcf: {  	[dreg:$0x1] =	wrdreg $0xFFFFFFFF  }
0xd0: {  	_ =	task.clear_ibuf [dreg:s22], $0x2FFFF;
	_ =	strace $0x9FFFFFFF  }
0xd1: {  	(tm) =	ssettm $0x7FFFFFFF  }
tec
execute0_lowered:
.L_overlay_start_1:
0x0: {  	(tag) =	ssettag $0x1  }
0x1: {  	s2 =	rddreg [dreg:$0x0]  }
0x2: {  	s4 =	rddreg [dreg:$0x1];
	s3 =	srdreg.scid  }
0x3: {  	s0 =	rddreg [dreg:$0x2];
	s1 =	stileid.u32  }
0x4: {  	s10 =	simm.s32 $0x1;
	s11 =	simm.s32 $0x0;
	s5 =	sand.u32 $0x1, s3  }
0x5: {  	s3 =	simm.s32 $0x0;
	s6 =	sshll.u32 s1, $0xC;
	s8 =	sshll.u32 s1, $0xF  }
0x6: {  	s7 =	sshll.u32 s5, $0xB;
	[smem:$0x7FF] =	sst s3;
	s29 =	ssub.s32 $0x2, s5  }
0x7: {  	s8 =	sadd.s32 s8, s4;
	s30 =	sshll.u32 s5, $0xE;
	s6 =	sor.u32 s7, s6  }
0x8: {  	_ =	strace $0x8000004A;
	s9 =	sshrl.u32 s29, $0x1;
	s31 =	sadd.s32 s30, s8  }
0x9: {  	s8 =	simm.s32 $0x80;
	s6 =	sshrl.u32 s6, $0x3;
	s7 =	ssub.s32 s29, s9  }
0xa: {  	s9 =	simm.s32 $0x800;
	s6 =	sadd.s32 s6, s4;
	s5 =	smax.u32 s7, $0x1  }
0xb: {  	s7 =	simm.s32 $0x2;
	s4 =	sadd.s32 $0x83400, s6;
	s6 =	sadd.s32 $0x85400, s31  }
.LBB2_1:
0xc: {  	[tilespmem:s3], [sflag:$0x2] =	stream.linear.gather [hbm4b:s4+s3], $0x800, $0x38;
	[tilespmem:$0x2800] =	vst v63  }
0xd: {  	_ =	swait.ge [sflag:s7], $0x800  }
0xe: {  	[sflag:s7] =	ssyncset.done $0x0  }
0xf: {  	s12 =	simm.s32 $0x0;
	[sflag:s7] =	ssyncadd.s32 $0xFFFFF800  }
0x10: {  	[tilespmem:s9], [sflag:$0x1] =	stream.indirect.gather [hbm4b:s2+s8], $0x40, s12, s8, $0xb8;
	[tilespmem:$0x2800] =	vst v63  }
0x11: {  	_ =	swait.ge [sflag:s10], $0x2000  }
0x12: {  	[sflag:s10] =	ssyncset.done $0x0  }
0x13: {  	[sflag:s10] =	ssyncadd.s32 $0xFFFFE000  }
0x14: {  	[hbm4b:s6+s3] =	stream.linear.scatter [tilespmem:s9], [sflag:$0x2], $0x2000, $0x38;
	[tilespmem:$0x2800] =	vst v63  }
0x15: {  	s13 =	simm.s32 $0x200;
	_ =	swait.ge [sflag:s7], $0x2000  }
0x16: {  	s14 =	simm.s32 $0x400;
	s12 =	sadd.s32 $0x400, s6;
	[sflag:s7] =	ssyncset.done $0x0  }
.LBB2_2:
0x17: {  	s15 =	sshra.s32 s13, $0x2  }
0x18: {  	[sflag:s7] =	ssyncadd.s32 $0xFFFFE000;
	s13 =	smov.u32 s14;
	s16 =	sadd.s32 $0x200, s14  }
0x19: {  	[tilespmem:s9], [sflag:$0x1] =	stream.indirect.gather [hbm4b:s2+s8], $0x40, s15, s8, $0xb8;
	[tilespmem:$0x2800] =	vst v63  }
0x1a: {  	p0 =	sne.s32 s14, $0x1E00;
	_ =	swait.ge [sflag:s10], $0x2000  }
.Ltmp0:
0x1b: {  	[sflag:s10] =	ssyncset.done $0x0;
	(pc) =	sbr.rel @p0 .LBB2_2-.Ltmp0, $4  }
0x1c: {  	[sflag:s10] =	ssyncadd.s32 $0xFFFFE000  }
0x1d: {  	[hbm4b:s12+s3] =	stream.linear.scatter [tilespmem:s9], [sflag:$0x2], $0x2000, $0x38;
	[tilespmem:$0x2800] =	vst v63  }
0x1e: {  	_ =	swait.ge [sflag:s7], $0x2000  }
0x1f: {  	s14 =	smov.u32 s16;
	s12 =	sadd.s32 $0x400, s12;
	[sflag:s7] =	ssyncset.done $0x0  }
0x20: {  	s13 =	sshra.s32 s13, $0x2;
	[sflag:s7] =	ssyncadd.s32 $0xFFFFE000  }
0x21: {  	[tilespmem:s9], [sflag:$0x1] =	stream.indirect.gather [hbm4b:s2+s8], $0x40, s13, s8, $0xb8;
	[tilespmem:$0x2800] =	vst v63  }
0x22: {  	s11 =	sadd.s32 $0x1, s11;
	_ =	swait.ge [sflag:s10], $0x2000  }
0x23: {  	p0 =	sne.s32 s11, s5;
	[sflag:s10] =	ssyncset.done $0x0  }
.Ltmp1:
0x24: {  	[sflag:s10] =	ssyncadd.s32 $0xFFFFE000;
	(pc) =	sbr.rel @p0 .LBB2_1-.Ltmp1, $4  }
0x25: {  	[hbm4b:s12+s3] =	stream.linear.scatter [tilespmem:s9], [sflag:$0x2], $0x2000, $0x38;
	[tilespmem:$0x2800] =	vst v63  }
0x26: {  	_ =	swait.ge [sflag:s7], $0x2000  }
0x27: {  	[sflag:s7] =	ssyncset.done $0x0  }
0x28: {  	[sflag:s7] =	ssyncadd.s32 $0xFFFFE000  }
0x29: {  	_ =	sfence.sel $0x180000  }
0x2a: {  	[bflag:$0x0] =	sbarrier.arrive $0xFFFF  }
0x2b: {  	p0 =	sne.s32 s1, $0x0;
	_ =	strace $0x9000004A  }
0x2c: {  	s0 =	sadd.s32 @!p0 $0x100000, s0;
	[bflag:$0x2] =	sbarrier.arrive $0xFFFF  }
0x2d: {  	[sflag:s0] =	ssyncadd.tile.s32 @!p0 $0x1;
	_ =	shalt  }
.Lfunc_end2:
_tile_overlayer_lowered:
.L_overlay_start_2:
0x2e: {  	(tag) =	ssettag $0x2  }
0x2f: {  	s0 =	rddreg [dreg:$0x0];
	s2 =	stileid.u32  }
0x30: {  	s1 =	rddreg [dreg:$0x1];
	p0 =	sne.s32 s2, $0x0  }
0x31: {  	s3 =	rddreg [dreg:$0x2];
	[bflag:$0x3] =	sbarrier.arrive $0xFFFF;
	s2 =	simm.s32 @!p0 $0x1C02  }
0x32: {  	[timem:s3], [sflag:s2] =	dma.local @!p0 [hbm:s0], s1  }
0x33: {  	s0 =	simm.s32 @!p0 $0x2  }
0x34: {  	_ =	swait.ge @!p0 [sflag:s0], s1  }
0x35: {  	s1 =	ssub.s32 @!p0 $0x0, s1;
	[sflag:s0] =	ssyncset.done @!p0 $0x0  }
0x36: {  	[sflag:s0] =	ssyncadd.s32 @!p0 s1  }
0x37: {  	[bflag:$0x3] =	sbarrier.arrive $0xFFFF  }
0x38: {  	_ =	shalt  }

// kernel: kernel.8.cloned.1.call-start
scs
__scs_entry_jumppad:
0x0: {  	(pc) =	sbr.rel $0x88, $3  }
0x1: {  	(tag) =	ssettag $0x0;
	lr =	simm.s32 $0x1  }
0x2: {  	[smem:$0x3F9C] =	sst lr;
	_ =	strace $0xD0000000  }
0x3: {  	_ = 	snop  }
0x4: {  	_ = 	snop  }
0x5: {  	_ = 	snop  }
0x6: {  	_ = 	snop  }
0x7: {  	_ = 	snop  }
__scs_overlays_trampoline_lowered:
0x8: {  	[smem:$0x3FAB] =	sst s0  }
0x9: {  	[smem:$0x3FAC] =	sst s1  }
0xa: {  	[smem:$0x3FAD] =	sst s2  }
0xb: {  	[smem:$0x3FAE] =	sst s3  }
0xc: {  	[smem:$0x3FAF] =	sst s4  }
0xd: {  	[smem:$0x3FB0] =	sst s5  }
0xe: {  	[smem:$0x3FB1] =	sst s6  }
0xf: {  	[smem:$0x3FB2] =	sst s7  }
0x10: {  	[smem:$0x3FB3] =	sst s8  }
0x11: {  	[smem:$0x3FB4] =	sst s9;
	s0 =	simm.s32 @!p0 $0x0  }
0x12: {  	s1 =	sld [smem:$0x3F9A];
	s0 =	simm.s32 @p0 $0x1  }
0x13: {  	[smem:$0x3FB5] =	sst s0;
	s0 =	simm.s32 @!p1 $0x0  }
0x14: {  	s2 =	sld [smem:$0x3F99];
	s0 =	simm.s32 @p1 $0x1  }
0x15: {  	[smem:$0x3FB6] =	sst s0;
	s0 =	simm.s32 @!p2 $0x0  }
0x16: {  	s3 =	sld [smem:$0x3FDB];
	s0 =	simm.s32 @p2 $0x1  }
0x17: {  	s4 =	simm.s32 $0x1BF5;
	[smem:$0x3FB8] =	sst s0  }
0x18: {  	s0 =	sld [smem:$0x3F9B];
	_ =	swait.ge [sflag:s4], $0x0  }
0x19: {  	s7 =	sld [smem:$0x3F9C]  }
0x1a: {  	s8 =	sadd.s32 $0xFFFFE003, lr  }
0x1b: {  	s9 =	sadd.s32 $0xFFFFFEF7, lr;
	s5 =	simm.s32 $0xFFFFFFFF;
	p2 =	slt.u32 s8, $0xFFFFF086  }
0x1c: {  	p1 =	slt.u32 s9, $0xF7A;
	s5 =	simm.s32 @!p2 $0x0  }
0x1d: {  	s5 =	simm.s32 @p1 $0x1;
	p0 =	seq.s32 s7, s2  }
0x1e: {  	s7 =	smul.u32 @!p0 $0xF7A, s2;
	p2 =	seq.s32 @!p0 s5, $0x0  }
0x1f: {  	s9 =	smul.u32 $0xF7A, s1;
	s8 =	simm.s32 @!p0 $0x1BF5;
	p2 =	por !p2, p0  }
0x20: {  	[sflag:s8] =	ssyncset.s32 @!p0 $0xFFFFF086;
	s6 =	sadd.s32 @!p0 s3, s7;
	s7 =	simm.s32 @!p0 $0x108  }
0x21: {  	s3 =	sadd.s32 s3, s9;
	s6 =	sadd.s32 @!p0 $0x88, s6;
	s7 =	simm.s32 @p2 $0x1082  }
0x22: {  	[simem:s7], [sflag:s8] =	dma.local @!p0 [hbm:s6], $0xF7A  }
0x23: {  	s9 =	sor.u32 $0xD0000000, s2;
	s6 =	simm.s32 $0x108;
	_ =	swait.ge @!p0 [sflag:s8], $0x0  }
0x24: {  	s3 =	sadd.s32 $0x88, s3;
	s6 =	simm.s32 @!p1 $0x1082;
	[sflag:s4] =	ssyncset.s32 $0xFFFFF086  }
0x25: {  	[simem:s6], [sflag:s4] =	dma.local [hbm:s3], $0xF7A  }
0x26: {  	[smem:$0x3F9C] =	sst s1;
	(tag) =	ssettag s2;
	_ =	strace s9  }
0x27: {  	s1 =	sld [smem:$0x3FAC]  }
0x28: {  	s2 =	sld [smem:$0x3FAD]  }
0x29: {  	s4 =	sld [smem:$0x3FAF]  }
0x2a: {  	p0 =	seq.s32 s5, $0x0;
	s5 =	sld [smem:$0x3FB0]  }
0x2b: {  	s6 =	sld [smem:$0x3FB1]  }
0x2c: {  	s7 =	sld [smem:$0x3FB2]  }
0x2d: {  	s3 =	simm.s32 $0x108;
	s8 =	sld [smem:$0x3FB3]  }
0x2e: {  	s3 =	simm.s32 @!p0 $0x1082;
	s9 =	sld [smem:$0x3FB4]  }
0x2f: {  	lr =	sadd.s32 s0, s3;
	s0 =	sld [smem:$0x3FAB]  }
0x30: {  	s3 =	sld [smem:$0x3FAE]  }
0x31: {  	[smem:$0x3FB7] =	sst s10  }
0x32: {  	s10 =	sld [smem:$0x3FB5];
	_ =	sdelay $0x3  }
0x33: {  	p0 =	seq.s32 s10, $0x1;
	s10 =	sld [smem:$0x3FB7];
	_ =	sdelay $0x3  }
0x34: {  	[smem:$0x3FB7] =	sst s10  }
0x35: {  	s10 =	sld [smem:$0x3FB6];
	_ =	sdelay $0x3  }
0x36: {  	p1 =	seq.s32 s10, $0x1;
	s10 =	sld [smem:$0x3FB7];
	_ =	sdelay $0x3  }
0x37: {  	[smem:$0x3FB7] =	sst s10  }
0x38: {  	s10 =	sld [smem:$0x3FB8]  }
0x39: {  	_ = 	snop;
	(pc) =	sbr.ind lr, $3  }
0x3a: {  	_ = 	snop  }
0x3b: {  	_ = 	snop  }
0x3c: {  	p2 =	seq.s32 s10, $0x1;
	s10 =	sld [smem:$0x3FB7]  }
0x3d: {  	_ =	shalt  }
0x3e: {  	_ =	shalt  }
0x3f: {  	_ =	shalt  }
0x40: {  	_ =	shalt  }
0x41: {  	_ =	shalt  }
0x42: {  	_ =	shalt  }
0x43: {  	_ =	shalt  }
0x44: {  	_ =	shalt  }
0x45: {  	_ =	shalt  }
0x46: {  	_ =	shalt  }
0x47: {  	_ =	shalt  }
0x48: {  	_ =	shalt  }
0x49: {  	_ =	shalt  }
0x4a: {  	_ =	shalt  }
0x4b: {  	_ =	shalt  }
0x4c: {  	_ =	shalt  }
0x4d: {  	_ =	shalt  }
0x4e: {  	_ =	shalt  }
0x4f: {  	_ =	shalt  }
0x50: {  	_ =	shalt  }
0x51: {  	_ =	shalt  }
0x52: {  	_ =	shalt  }
0x53: {  	_ =	shalt  }
0x54: {  	_ =	shalt  }
0x55: {  	_ =	shalt  }
0x56: {  	_ =	shalt  }
0x57: {  	_ =	shalt  }
0x58: {  	_ =	shalt  }
0x59: {  	_ =	shalt  }
0x5a: {  	_ =	shalt  }
0x5b: {  	_ =	shalt  }
0x5c: {  	_ =	shalt  }
0x5d: {  	_ =	shalt  }
0x5e: {  	_ =	shalt  }
0x5f: {  	_ =	shalt  }
0x60: {  	_ =	shalt  }
0x61: {  	_ =	shalt  }
0x62: {  	_ =	shalt  }
0x63: {  	_ =	shalt  }
0x64: {  	_ =	shalt  }
0x65: {  	_ =	shalt  }
0x66: {  	_ =	shalt  }
0x67: {  	_ =	shalt  }
0x68: {  	_ =	shalt  }
0x69: {  	_ =	shalt  }
0x6a: {  	_ =	shalt  }
0x6b: {  	_ =	shalt  }
0x6c: {  	_ =	shalt  }
0x6d: {  	_ =	shalt  }
0x6e: {  	_ =	shalt  }
0x6f: {  	_ =	shalt  }
0x70: {  	_ =	shalt  }
0x71: {  	_ =	shalt  }
0x72: {  	_ =	shalt  }
0x73: {  	_ =	shalt  }
0x74: {  	_ =	shalt  }
0x75: {  	_ =	shalt  }
0x76: {  	_ =	shalt  }
0x77: {  	_ =	shalt  }
0x78: {  	_ =	shalt  }
0x79: {  	_ =	shalt  }
0x7a: {  	_ =	shalt  }
0x7b: {  	_ =	shalt  }
0x7c: {  	_ =	shalt  }
0x7d: {  	_ =	shalt  }
0x7e: {  	_ =	shalt  }
0x7f: {  	_ =	shalt  }
0x80: {  	_ =	shalt  }
0x81: {  	_ =	shalt  }
0x82: {  	_ =	shalt  }
0x83: {  	_ =	shalt  }
0x84: {  	_ =	shalt  }
0x85: {  	_ =	shalt  }
0x86: {  	_ =	shalt  }
0x87: {  	_ =	shalt  }
.Lfunc_end0:
.L_simem_size_0:
called_computation_lowered:
.L_overlay_start_0:
0x88: {  	s2 =	sld [smem:$0x3FD9]  }
0x89: {  	s3 =	sld [smem:$0x3FFE];
	_ =	sdelay $0x1  }
0x8a: {  	s1 =	srdreg.scid  }
0x8b: {  	s0 =	sand.u32 $0x1, s1  }
0x8c: {  	s17 =	sshll.u32 s0, $0xA;
	s2 =	sadd.s32 s3, s2  }
0x8d: {  	s2 =	sadd.s32 s2, s17  }
0x8e: {  	[smem:$0x3FC3] =	sst s2  }
0x8f: {  	_ = 	snop  }
0x90: {  	s2 =	sld [smem:$0x3FD0];
	(tm) =	ssettm $0x1  }
0x91: {  	s18 =	sld [smem:$0x3FFB];
	_ =	sdelay $0x3  }
0x92: {  	_ =	strace s18  }
0x93: {  	s3 =	sld [smem:$0x3FFC];
	_ =	sdelay $0x3  }
0x94: {  	_ =	strace s3  }
0x95: {  	s3 =	sld [smem:$0x3FFD];
	_ =	sdelay $0x3  }
0x96: {  	_ =	strace s3  }
0x97: {  	_ =	strace $0x8FFFFFFF  }
0x98: {  	s19 =	sld [smem:$0x3FDB];
	_ =	sdelay $0x1  }
0x99: {  	s4 =	simm.s32 $_scs_section_size  }
0x9a: {  	s5 =	simm.s32 $_size__tile_overlayer_lowered;
	s6 =	simm.s32 $_tile_overlayer_lowered  }
0x9b: {  	s22 =	simm.s32 $0x1BFF;
	s21 =	sshll.u32 s6, $0x1;
	s3 =	sadd.s32 s4, s19  }
0x9c: {  	s7 =	simm.s32 $0x0;
	s20 =	sshll.u32 s5, $0x1;
	s5 =	sadd.s32 s21, s3  }
0x9d: {  	[timem:s7], [sflag:s22] =	dma.local [hbm:s5], s20  }
0x9e: {  	_ =	swait.ge [sflag:s22], s20  }
0x9f: {  	s4 =	ssub.s32 $0x0, s20;
	[sflag:s22] =	ssyncset.done $0x0  }
0xa0: {  	[sflag:s22] =	ssyncadd.s32 s4;
	_ =	sdelay $0x1  }
0xa1: {  	s23 =	simm.s32 $0x1B8B  }
0xa2: {  	_ =	swait.ge [sflag:s23], $0x1  }
0xa3: {  	[sflag:s23] =	ssyncset.done $0x0  }
0xa4: {  	s25 =	simm.s32 $0x1B8E;
	s24 =	sld [smem:$0x3FFE];
	[sflag:s23] =	ssyncadd.s32 $0xFFFFFFFF  }
0xa5: {  	s26 =	simm.s32 $execute0_lowered;
	[smem:$0x3FD2] =	sst s25  }
0xa6: {  	s5 =	sshll.u32 s26, $0x1;
	_ =	strace $0x80000046;
	[dreg:$0x1] =	wrdreg $0xFFFFFFFF  }
0xa7: {  	s28 =	simm.s32 $_size_execute0_lowered;
	s3 =	sadd.s32 s3, s5;
	[dreg:$0x0] =	wrdreg $0x0  }
0xa8: {  	s5 =	sshll.u32 s28, $0x1;
	[dreg:$0x2] =	wrdreg s3  }
0xa9: {  	[dreg:$0x3] =	wrdreg s5  }
0xaa: {  	[dreg:$0x4] =	wrdreg $0xC0  }
0xab: {  	_ =	task [dreg:s7], $0x5FFFF  }
0xac: {  	[dreg:$0x1] =	wrdreg $0xFFFFFFFF  }
0xad: {  	[dreg:$0x0] =	wrdreg $0x60  }
0xae: {  	[dreg:$0x2] =	wrdreg s2  }
0xaf: {  	[dreg:$0x3] =	wrdreg s24  }
0xb0: {  	[dreg:$0x4] =	wrdreg $0x9  }
0xb1: {  	_ =	task.clear_ibuf [dreg:s7], $0x5FFFF;
	_ =	strace $0x90000046  }
0xb2: {  	s29 =	simm.s32 $0x9;
	_ =	strace $0x80000048  }
0xb3: {  	_ =	swait.ge [sflag:s29], $0x1  }
0xb4: {  	[sflag:s29] =	ssyncadd.s32 $0xFFFFFFFF  }
0xb5: {  	_ =	strace $0x90000048  }
0xb6: {  	_ =	sfence  }
0xb7: {  	s30 =	sld [smem:$0x0];
	_ =	sdelay $0x2  }
0xb8: {  	s31 =	sshll.u32 s1, $0xD;
	s1 =	sshrl.u32 s1, $0x2  }
0xb9: {  	s3 =	sand.u32 $0x4000, s31;
	s1 =	sadd.s32 s1, s30  }
0xba: {  	s0 =	sor.u32 s3, s0;
	s1 =	sshll.u32 s1, $0x11  }
0xbb: {  	s0 =	sor.u32 s1, s0  }
0xbc: {  	s0 =	sadd.s32 $0x8F2B, s0  }
0xbd: {  	[sflag:s0] =	ssyncadd.remote.s32 $0x1  }
0xbe: {  	_ =	sfence.sel $0xFFFF  }
0xbf: {  	[dreg:$0x0] =	wrdreg $0xFFFFFFFF;
	(pc) =	sbr.abs _section_cstart, $3  }
0xc0: {  	[dreg:$0x1] =	wrdreg $0xFFFFFFFF  }
0xc1: {  	_ =	task.clear_ibuf [dreg:s7], $0x2FFFF;
	_ =	strace $0x9FFFFFFF  }
0xc2: {  	(tm) =	ssettm $0x7FFFFFFF  }
0xc3: {  	_ =	shalt  }
tec
execute0_lowered:
.L_overlay_start_1:
0x0: {  	(tag) =	ssettag $0x1  }
0x1: {  	s2 =	rddreg [dreg:$0x0]  }
0x2: {  	s4 =	rddreg [dreg:$0x1];
	s3 =	srdreg.scid  }
0x3: {  	s0 =	rddreg [dreg:$0x2];
	s1 =	stileid.u32  }
0x4: {  	s10 =	simm.s32 $0x1;
	s11 =	simm.s32 $0x0;
	s5 =	sand.u32 $0x1, s3  }
0x5: {  	s3 =	simm.s32 $0x0;
	s6 =	sshll.u32 s1, $0xC;
	s8 =	sshll.u32 s1, $0xF  }
0x6: {  	s7 =	sshll.u32 s5, $0xB;
	[smem:$0x7FF] =	sst s3;
	s29 =	ssub.s32 $0x2, s5  }
0x7: {  	s8 =	sadd.s32 s8, s4;
	s30 =	sshll.u32 s5, $0xE;
	s6 =	sor.u32 s7, s6  }
0x8: {  	_ =	strace $0x80000047;
	s9 =	sshrl.u32 s29, $0x1;
	s31 =	sadd.s32 s30, s8  }
0x9: {  	s8 =	simm.s32 $0x80;
	s6 =	sshrl.u32 s6, $0x3;
	s7 =	ssub.s32 s29, s9  }
0xa: {  	s9 =	simm.s32 $0x800;
	s6 =	sadd.s32 s6, s4;
	s5 =	smax.u32 s7, $0x1  }
0xb: {  	s7 =	simm.s32 $0x2;
	s4 =	sadd.s32 $0x1400, s6;
	s6 =	sadd.s32 $0x3400, s31  }
.LBB2_1:
0xc: {  	[tilespmem:s3], [sflag:$0x2] =	stream.linear.gather [hbm4b:s4+s3], $0x800, $0x38;
	[tilespmem:$0x2800] =	vst v63  }
0xd: {  	_ =	swait.ge [sflag:s7], $0x800  }
0xe: {  	[sflag:s7] =	ssyncset.done $0x0  }
0xf: {  	s12 =	simm.s32 $0x0;
	[sflag:s7] =	ssyncadd.s32 $0xFFFFF800  }
0x10: {  	[tilespmem:s9], [sflag:$0x1] =	stream.indirect.gather [hbm4b:s2+s8], $0x40, s12, s8, $0xb8;
	[tilespmem:$0x2800] =	vst v63  }
0x11: {  	_ =	swait.ge [sflag:s10], $0x2000  }
0x12: {  	[sflag:s10] =	ssyncset.done $0x0  }
0x13: {  	[sflag:s10] =	ssyncadd.s32 $0xFFFFE000  }
0x14: {  	[hbm4b:s6+s3] =	stream.linear.scatter [tilespmem:s9], [sflag:$0x2], $0x2000, $0x38;
	[tilespmem:$0x2800] =	vst v63  }
0x15: {  	s13 =	simm.s32 $0x200;
	_ =	swait.ge [sflag:s7], $0x2000  }
0x16: {  	s14 =	simm.s32 $0x400;
	s12 =	sadd.s32 $0x400, s6;
	[sflag:s7] =	ssyncset.done $0x0  }
.LBB2_2:
0x17: {  	s15 =	sshra.s32 s13, $0x2  }
0x18: {  	[sflag:s7] =	ssyncadd.s32 $0xFFFFE000;
	s13 =	smov.u32 s14;
	s16 =	sadd.s32 $0x200, s14  }
0x19: {  	[tilespmem:s9], [sflag:$0x1] =	stream.indirect.gather [hbm4b:s2+s8], $0x40, s15, s8, $0xb8;
	[tilespmem:$0x2800] =	vst v63  }
0x1a: {  	p0 =	sne.s32 s14, $0x1E00;
	_ =	swait.ge [sflag:s10], $0x2000  }
.Ltmp0:
0x1b: {  	[sflag:s10] =	ssyncset.done $0x0;
	(pc) =	sbr.rel @p0 .LBB2_2-.Ltmp0, $4  }
0x1c: {  	[sflag:s10] =	ssyncadd.s32 $0xFFFFE000  }
0x1d: {  	[hbm4b:s12+s3] =	stream.linear.scatter [tilespmem:s9], [sflag:$0x2], $0x2000, $0x38;
	[tilespmem:$0x2800] =	vst v63  }
0x1e: {  	_ =	swait.ge [sflag:s7], $0x2000  }
0x1f: {  	s14 =	smov.u32 s16;
	s12 =	sadd.s32 $0x400, s12;
	[sflag:s7] =	ssyncset.done $0x0  }
0x20: {  	s13 =	sshra.s32 s13, $0x2;
	[sflag:s7] =	ssyncadd.s32 $0xFFFFE000  }
0x21: {  	[tilespmem:s9], [sflag:$0x1] =	stream.indirect.gather [hbm4b:s2+s8], $0x40, s13, s8, $0xb8;
	[tilespmem:$0x2800] =	vst v63  }
0x22: {  	s11 =	sadd.s32 $0x1, s11;
	_ =	swait.ge [sflag:s10], $0x2000  }
0x23: {  	p0 =	sne.s32 s11, s5;
	[sflag:s10] =	ssyncset.done $0x0  }
.Ltmp1:
0x24: {  	[sflag:s10] =	ssyncadd.s32 $0xFFFFE000;
	(pc) =	sbr.rel @p0 .LBB2_1-.Ltmp1, $4  }
0x25: {  	[hbm4b:s12+s3] =	stream.linear.scatter [tilespmem:s9], [sflag:$0x2], $0x2000, $0x38;
	[tilespmem:$0x2800] =	vst v63  }
0x26: {  	_ =	swait.ge [sflag:s7], $0x2000  }
0x27: {  	[sflag:s7] =	ssyncset.done $0x0  }
0x28: {  	[sflag:s7] =	ssyncadd.s32 $0xFFFFE000  }
0x29: {  	_ =	sfence.sel $0x180000  }
0x2a: {  	[bflag:$0x0] =	sbarrier.arrive $0xFFFF  }
0x2b: {  	p0 =	sne.s32 s1, $0x0;
	_ =	strace $0x90000047  }
0x2c: {  	s0 =	sadd.s32 @!p0 $0x100000, s0;
	[bflag:$0x2] =	sbarrier.arrive $0xFFFF  }
0x2d: {  	[sflag:s0] =	ssyncadd.tile.s32 @!p0 $0x1;
	_ =	shalt  }
.Lfunc_end2:
_tile_overlayer_lowered:
.L_overlay_start_2:
0x2e: {  	(tag) =	ssettag $0x2  }
0x2f: {  	s0 =	rddreg [dreg:$0x0];
	s2 =	stileid.u32  }
0x30: {  	s1 =	rddreg [dreg:$0x1];
	p0 =	sne.s32 s2, $0x0  }
0x31: {  	s3 =	rddreg [dreg:$0x2];
	[bflag:$0x3] =	sbarrier.arrive $0xFFFF;
	s2 =	simm.s32 @!p0 $0x1C02  }
0x32: {  	[timem:s3], [sflag:s2] =	dma.local @!p0 [hbm:s0], s1  }
0x33: {  	s0 =	simm.s32 @!p0 $0x2  }
0x34: {  	_ =	swait.ge @!p0 [sflag:s0], s1  }
0x35: {  	s1 =	ssub.s32 @!p0 $0x0, s1;
	[sflag:s0] =	ssyncset.done @!p0 $0x0  }
0x36: {  	[sflag:s0] =	ssyncadd.s32 @!p0 s1  }
0x37: {  	[bflag:$0x3] =	sbarrier.arrive $0xFFFF  }
0x38: {  	_ =	shalt  }

</sc_bundles>
